<compile_context>
chip_gen: v7x
topology: tpu7x:2x2x1
jax: 0.10.2.dev20260603
libtpu: 0.0.44.dev20260713+nightly
codegen_flags: <defaults>
</compile_context>

<pallas_src>
import jax
import jax.numpy as jnp
from jax import lax
from jax.experimental import pallas as pl
from jax.experimental.pallas import tpu as pltpu
from jax.experimental.pallas import tpu_sc as plsc

B = 1024
S = 200
NPOI = 100000
NREG = 1000
D = 64
RECENT_K = 10
TOPM = 50

TB = 8
WCOL = 16384
NCT = (NPOI + WCOL - 1) // WCOL
GBLK = 128
NBM = NCT * (WCOL // GBLK)
LAST_BID = (NPOI - 1) // GBLK
LAST_W = NPOI - LAST_BID * GBLK
NSEL = 64
NW = 32
RPW = B // NW
GPW = (B // 8) // NW
NEGINF = float("-inf")


def _copy_blockmax_body(x_ref, out_ref, bm_ref):
    j = pl.program_id(1)
    x = x_ref[...]
    out_ref[...] = x
    col = j * WCOL + lax.broadcasted_iota(jnp.int32, (TB, WCOL), 1)
    xm = jnp.where(col < NPOI, x, NEGINF)
    bm_ref[...] = jnp.max(xm.reshape(TB, WCOL // GBLK, GBLK), axis=2)


@jax.jit
def _k1(pred):
    return pl.pallas_call(
        _copy_blockmax_body,
        grid=(B // TB, NCT),
        in_specs=[pl.BlockSpec((TB, WCOL), lambda i, j: (i, j))],
        out_specs=[
            pl.BlockSpec((TB, WCOL), lambda i, j: (i, j)),
            pl.BlockSpec((TB, WCOL // GBLK), lambda i, j: (i, j)),
        ],
        out_shape=[
            jax.ShapeDtypeStruct((B, NPOI), jnp.float32),
            jax.ShapeDtypeStruct((B, NBM), jnp.float32),
        ],
    )(pred)


def _thresh_body(alpha_ref, bm_ref, up_ref, re_ref, tau_ref, sc_ref):
    bmv = bm_ref[...]
    bits = lax.bitcast_convert_type(bmv, jnp.int32)
    key = bits ^ jnp.where(bits < 0, jnp.int32(0x7FFFFFFF), jnp.int32(0))

    t0 = jnp.full((TB, 1), jnp.int32(-(2**31)))

    def it(k, t):
        c = t + lax.shift_left(jnp.int32(1), jnp.int32(31) - k)
        cnt = jnp.sum((key >= c).astype(jnp.int32), axis=1, keepdims=True)
        return jnp.where(cnt >= TOPM, c, t)

    t = lax.fori_loop(0, 32, it, t0)
    fb = t ^ jnp.where(t < 0, jnp.int32(0x7FFFFFFF), jnp.int32(0))
    tau = lax.bitcast_convert_type(fb, jnp.float32)
    tau_ref[...] = jnp.broadcast_to(tau, (TB, 128))

    up = up_ref[...]
    sc = lax.dot_general(up, re_ref[...], (((1,), (1,)), ((), ())),
                         preferred_element_type=jnp.float32)
    sc = sc * alpha_ref[...][0:TB, 0:1]
    sc_ref[...] = jnp.concatenate(
        [sc, jnp.zeros((TB, 1024 - NREG), jnp.float32)], axis=1)


@jax.jit
def _k2(alpha_arr, bm, up, re):
    return pl.pallas_call(
        _thresh_body,
        grid=(B // TB,),
        in_specs=[
            pl.BlockSpec((8, 128), lambda i: (0, 0)),
            pl.BlockSpec((TB, NBM), lambda i: (i, 0)),
            pl.BlockSpec((TB, D), lambda i: (i, 0)),
            pl.BlockSpec((NREG, D), lambda i: (0, 0)),
        ],
        out_specs=[
            pl.BlockSpec((TB, 128), lambda i: (i, 0)),
            pl.BlockSpec((TB, 1024), lambda i: (i, 0)),
        ],
        out_shape=[
            jax.ShapeDtypeStruct((B, 128), jnp.float32),
            jax.ShapeDtypeStruct((B, 1024), jnp.float32),
        ],
    )(alpha_arr, bm, up, re)


def _mesh():
    return plsc.VectorSubcoreMesh(core_axis_name="c", subcore_axis_name="s")


def _user_pref_body(seq_hbm, len_hbm, pr_hbm, re_hbm, up_hbm,
                    seqv, lenv, ridv, embv, outv, sem0, sem1):
    cc = lax.axis_index("c")
    ss = lax.axis_index("s")
    wid = ss * 2 + cc
    r0 = wid * RPW
    pltpu.sync_copy(seq_hbm.at[pl.ds(r0, RPW)], seqv)
    pltpu.sync_copy(len_hbm.at[pl.ds(r0, RPW)], lenv)
    k16 = lax.iota(jnp.int32, 16)

    def row(i, carry):
        iv = jnp.full((16,), i, jnp.int32)
        ln = jnp.max(plsc.load_gather(lenv, [iv]))
        start = jnp.maximum(ln - RECENT_K, 0)
        cnt = ln - start
        pos = jnp.minimum(start + k16, S - 1)
        pid = plsc.load_gather(seqv, [iv, pos])
        pltpu.async_copy(pr_hbm.at[pid], ridv, sem0).wait()
        pltpu.async_copy(re_hbm.at[ridv], embv, sem1).wait()
        w = jnp.where(k16 < cnt, jnp.float32(1.0), jnp.float32(0.0))
        inv = jnp.float32(1.0)
        for n in range(2, RECENT_K + 1):
            inv = jnp.where(cnt == n, jnp.float32(1.0 / n), inv)
        for jj in range(D // 16):
            acc = jnp.zeros((16,), jnp.float32)
            for tt in range(16):
                wt = jnp.max(jnp.where(k16 == tt, w, jnp.float32(0.0)))
                acc = acc + embv[tt, pl.ds(16 * jj, 16)] * wt
            plsc.store_scatter(outv, [iv, 16 * jj + k16], acc * inv)
        return carry

    lax.fori_loop(0, RPW, row, 0)
    pltpu.sync_copy(outv, up_hbm.at[pl.ds(r0, RPW)])


@jax.jit
def _s1(user_seq, user_seq_len, poi_region_id, region_emb):
    region_emb = jnp.pad(region_emb, ((0, 0), (0, 128 - D)))
    fn = pl.kernel(
        _user_pref_body,
        mesh=_mesh(),
        compiler_params=pltpu.CompilerParams(needs_layout_passes=False),
        out_type=jax.ShapeDtypeStruct((B, D), jnp.float32),
        scratch_types=[
            pltpu.VMEM((RPW, S), jnp.int32),
            pltpu.VMEM((RPW,), jnp.int32),
            pltpu.VMEM((16,), jnp.int32),
            pltpu.VMEM((16, 128), jnp.float32),
            pltpu.VMEM((RPW, D), jnp.float32),
            pltpu.SemaphoreType.DMA,
            pltpu.SemaphoreType.DMA,
        ],
    )
    return fn(user_seq, user_seq_len, poi_region_id, region_emb)


def _apply_body(bm_hbm, tau_hbm, sc_hbm, pr_hbm, out_ref, tail_ref,
                bm8, tau8, sc8, tailbuf, idsv, stag, selidx, selloc,
                selval, ridv, gsem, ssem, osem):
    cc = lax.axis_index("c")
    ss = lax.axis_index("s")
    wid = ss * 2 + cc
    k16 = lax.iota(jnp.int32, 16)
    lane0 = k16 == 0

    def splat_i(x):
        return jnp.full((16,), x, jnp.int32)

    def splat_f(x):
        return jnp.full((16,), x, jnp.float32)

    def bid_of(k):
        return jnp.max(plsc.load_gather(idsv, [splat_i(k)]))

    def blk_max(k, bid, i8):
        m = splat_f(NEGINF)
        for ii in range(8):
            cv = plsc.load_gather(stag, [splat_i(k), splat_i(i8),
                                         16 * ii + k16])
            ok = bid * GBLK + 16 * ii + k16 < NPOI
            m = jnp.maximum(m, jnp.where(ok, cv, splat_f(NEGINF)))
        return jnp.max(m)

    def group(gl, carry):
        g = wid * GPW + gl
        rg = g * 8
        pltpu.sync_copy(bm_hbm.at[pl.ds(rg, 8)], bm8)
        pltpu.sync_copy(tau_hbm.at[pl.ds(rg, 8)], tau8)
        pltpu.sync_copy(sc_hbm.at[pl.ds(rg, 8)], sc8)

        def row(i8, zz):
            tau = jnp.max(plsc.load_gather(tau8, [splat_i(i8), k16]))

            for j5 in range(5):
                idsv[pl.ds(16 * j5, 16)] = k16 + 16 * j5
            cnt = jnp.int32(0)
            for j in range(NBM // 16):
                v = plsc.load_gather(bm8, [splat_i(i8), 16 * j + k16])
                m = v >= tau
                c_now = cnt

                @pl.when(c_now < NSEL)
                def _():
                    plsc.store_compressed(idsv.at[pl.ds(c_now, 16)],
                                          k16 + 16 * j, mask=m)

                cnt = cnt + jnp.max(plsc.all_reduce_population_count(m))

            ncand = jnp.minimum(cnt, NSEL)

            def gfire(k, z):
                bid = bid_of(k)

                @pl.when(jnp.logical_and(k < ncand, bid < LAST_BID))
                def _():
                    pltpu.async_copy(
                        out_ref.at[pl.ds(rg, 8), pl.ds(bid * GBLK, GBLK)],
                        stag.at[k], gsem)

                @pl.when(jnp.logical_and(k < ncand, bid >= LAST_BID))
                def _():
                    pltpu.sync_copy(tail_ref.at[pl.ds(rg, 8)], tailbuf)
                    for rr in range(8):
                        for ii in range(8):
                            tv = tailbuf[rr, pl.ds(16 * ii, 16)]
                            plsc.store_scatter(
                                stag, [splat_i(k), splat_i(rr),
                                       16 * ii + k16], tv)

                return z

            lax.fori_loop(0, NSEL, gfire, 0)

            def gdrain(k, z):
                bid = bid_of(k)

                @pl.when(jnp.logical_and(k < ncand, bid < LAST_BID))
                def _():
                    pltpu.make_async_copy(
                        out_ref.at[pl.ds(rg, 8), pl.ds(0, GBLK)],
                        stag.at[k], gsem).wait()

                return z

            lax.fori_loop(0, NSEL, gdrain, 0)

            def binit(k, bs):
                bid = bid_of(k)
                mx = jnp.where(k < ncand, blk_max(k, bid, i8),
                               jnp.float32(NEGINF))
                return tuple(
                    jnp.where(k16 + 16 * j4 == k, splat_f(mx), bs[j4])
                    for j4 in range(4))

            bs0 = tuple(splat_f(NEGINF) for _ in range(4))
            bs = lax.fori_loop(0, NSEL, binit, bs0)

            def step(t, bs):
                b0, b1, b2, b3 = bs
                gm = jnp.max(jnp.maximum(jnp.maximum(b0, b1),
                                         jnp.maximum(b2, b3)))
                jj = jnp.min(jnp.minimum(
                    jnp.minimum(jnp.where(b0 == gm, k16, 9999),
                                jnp.where(b1 == gm, k16 + 16, 9999)),
                    jnp.minimum(jnp.where(b2 == gm, k16 + 32, 9999),
                                jnp.where(b3 == gm, k16 + 48, 9999))))
                bid = bid_of(jj)
                cvs = []
                p = jnp.int32(9999)
                for ii in range(8):
                    cv = plsc.load_gather(stag, [splat_i(jj), splat_i(i8),
                                                 16 * ii + k16])
                    ok = bid * GBLK + 16 * ii + k16 < NPOI
                    cv = jnp.where(ok, cv, splat_f(NEGINF))
                    cvs.append(cv)
                    p = jnp.minimum(p, jnp.min(
                        jnp.where(cv == gm, 16 * ii + k16, 9999)))
                p = jnp.minimum(p, 127)
                nm = splat_f(NEGINF)
                for ii in range(8):
                    nm = jnp.maximum(nm, jnp.where(
                        16 * ii + k16 == p, splat_f(NEGINF), cvs[ii]))
                tv = splat_i(t)
                plsc.store_scatter(selidx, [tv],
                                   splat_i(jnp.minimum(bid * GBLK + p,
                                                       NPOI - 1)),
                                   mask=lane0)
                plsc.store_scatter(selloc, [tv], splat_i(jj * GBLK + p),
                                   mask=lane0)
                plsc.store_scatter(selval, [tv], splat_f(gm), mask=lane0)
                plsc.store_scatter(stag, [splat_i(jj), splat_i(i8),
                                          splat_i(p)],
                                   splat_f(NEGINF), mask=lane0)
                nms = jnp.max(nm)
                return tuple(
                    jnp.where(k16 + 16 * j4 == jj, splat_f(nms), bs[j4])
                    for j4 in range(4))

            lax.fori_loop(0, NSEL, step, bs)

            pltpu.async_copy(pr_hbm.at[selidx], ridv, ssem).wait()
            for v4 in range(4):
                loc = selloc[pl.ds(16 * v4, 16)]
                val = selval[pl.ds(16 * v4, 16)]
                rid = ridv[pl.ds(16 * v4, 16)]
                dv = plsc.load_gather(sc8, [splat_i(i8), rid])
                add = jnp.where(k16 + 16 * v4 < TOPM, dv, jnp.float32(0.0))
                plsc.store_scatter(
                    stag,
                    [lax.shift_right_logical(loc, 7), splat_i(i8),
                     jnp.bitwise_and(loc, 127)],
                    val + add)

            def wfire(k, z):
                bid = bid_of(k)

                @pl.when(jnp.logical_and(k < ncand, bid < LAST_BID))
                def _():
                    pltpu.async_copy(
                        stag.at[k],
                        out_ref.at[pl.ds(rg, 8), pl.ds(bid * GBLK, GBLK)],
                        osem)

                @pl.when(jnp.logical_and(k < ncand, bid >= LAST_BID))
                def _():
                    pltpu.async_copy(stag.at[k], tail_ref.at[pl.ds(rg, 8)],
                                     osem)

                return z

            lax.fori_loop(0, NSEL, wfire, 0)

            def wdrain(k, z):
                @pl.when(k < ncand)
                def _():
                    pltpu.make_async_copy(
                        stag.at[k], out_ref.at[pl.ds(rg, 8), pl.ds(0, GBLK)],
                        osem).wait()

                return z

            lax.fori_loop(0, NSEL, wdrain, 0)
            return zz

        lax.fori_loop(0, 8, row, 0)
        return carry

    lax.fori_loop(0, GPW, group, 0)


def _s2(bm, tau, scores, poi_region_id, out_ref, tail_ref):
    fn = pl.kernel(
        _apply_body,
        mesh=_mesh(),
        compiler_params=pltpu.CompilerParams(needs_layout_passes=False),
        out_type=(),
        scratch_types=[
            pltpu.VMEM((8, NBM), jnp.float32),
            pltpu.VMEM((8, 128), jnp.float32),
            pltpu.VMEM((8, 1024), jnp.float32),
            pltpu.VMEM((8, 128), jnp.float32),
            pltpu.VMEM((NSEL + 16,), jnp.int32),
            pltpu.VMEM((NSEL, 8, GBLK), jnp.float32),
            pltpu.VMEM((NSEL,), jnp.int32),
            pltpu.VMEM((NSEL,), jnp.int32),
            pltpu.VMEM((NSEL,), jnp.float32),
            pltpu.VMEM((NSEL,), jnp.int32),
            pltpu.SemaphoreType.DMA,
            pltpu.SemaphoreType.DMA,
            pltpu.SemaphoreType.DMA,
        ],
    )
    fn(bm, tau, scores, poi_region_id, out_ref, tail_ref)


def _tail_merge_body(src_ref, tv_ref, out_ref):
    del src_ref
    out_ref[...] = tv_ref[...]


def _k5(out_after, tailvals):
    return pl.pallas_call(
        _tail_merge_body,
        grid=(B // TB,),
        in_specs=[
            pl.BlockSpec(memory_space=pl.ANY),
            pl.BlockSpec((TB, 128), lambda i: (i, 0)),
        ],
        out_specs=pl.BlockSpec((TB, 128), lambda i: (i, LAST_BID)),
        out_shape=jax.ShapeDtypeStruct((B, NPOI), jnp.float32),
        input_output_aliases={0: 0},
    )(out_after, tailvals)


def kernel(pred_base, user_seq, user_seq_len, poi_region_id,
           fusion_batch_users_embs, fusion_pois_embs, region_emb, alpha):
    del fusion_batch_users_embs, fusion_pois_embs
    user_seq = user_seq.astype(jnp.int32)
    user_seq_len = user_seq_len.astype(jnp.int32)
    poi_region_id = poi_region_id.astype(jnp.int32)
    pred_base = pred_base.astype(jnp.float32)
    region_emb = region_emb.astype(jnp.float32)

    up = _s1(user_seq, user_seq_len, poi_region_id, region_emb)
    out0, bm = _k1(pred_base)
    alpha_arr = jnp.broadcast_to(
        jnp.asarray(alpha, jnp.float32).reshape(1, 1), (8, 128))
    tau, scores = _k2(alpha_arr, bm, up, region_emb)
    tail0 = jnp.pad(lax.slice(pred_base, (0, NPOI - LAST_W), (B, NPOI)),
                    ((0, 0), (0, GBLK - LAST_W)), constant_values=NEGINF)
    out_ref = jax.new_ref(out0)
    tail_ref = jax.new_ref(tail0)
    _s2(bm, tau, scores, poi_region_id, out_ref, tail_ref)
    out = _k5(jax.freeze(out_ref), jax.freeze(tail_ref))
    return out, up

# --- scband reference (transcript-rebuilt; emitter-appended) ---
"""Pipeline reference for scband-region-residual-calibration-61649960566862 (READ-ONLY COPY).

The authoritative reference and input builder live on the scoring server;
editing this copy changes nothing except your own understanding.
"""

import jax, jax.numpy as jnp
import numpy as np

B = 1024
S = 200
NUM_POIS = 100000
NUM_REGIONS = 1000
D = 64
RECENT_K = 10
TOPM = 50
INIT_ALPHA = 0.05


def setup_inputs(seed: int = 0) -> dict:
    key = jax.random.key(seed)
    ks = jax.random.split(key, 8)
    pred_base = jax.random.normal(ks[0], (B, NUM_POIS), dtype=jnp.float32)
    user_seq = jax.random.randint(ks[1], (B, S), 0, NUM_POIS)
    user_seq_len = jax.random.randint(ks[2], (B,), 0, S)
    poi_region_id = jax.random.randint(ks[3], (NUM_POIS,), 0, NUM_REGIONS)
    fusion_batch_users_embs = jax.random.normal(ks[4], (B, D), dtype=jnp.float32)
    fusion_pois_embs = jax.random.normal(ks[5], (NUM_POIS, D), dtype=jnp.float32)
    bound = float(np.sqrt(6.0 / (NUM_REGIONS + D)))
    region_emb = jax.random.uniform(ks[6], (NUM_REGIONS, D), minval=-bound, maxval=bound, dtype=jnp.float32)
    alpha = jnp.asarray(INIT_ALPHA, dtype=jnp.float32)
    return {
        'pred_base': pred_base,
        'user_seq': user_seq,
        'user_seq_len': user_seq_len,
        'poi_region_id': poi_region_id,
        'fusion_batch_users_embs': fusion_batch_users_embs,
        'fusion_pois_embs': fusion_pois_embs,
        'region_emb': region_emb,
        'alpha': alpha,
    }


def reference(pred_base, user_seq, user_seq_len, poi_region_id,
              fusion_batch_users_embs, fusion_pois_embs, region_emb, alpha):
    # --- _recent_poi_region_pref (vectorized over batch) ---
    pos = jnp.arange(S)[None, :]                      # [1, S]
    L = user_seq_len[:, None]                         # [B, 1]
    start = jnp.maximum(0, L - RECENT_K)
    mask = ((pos >= start) & (pos < L)).astype(jnp.float32)  # [B, S]
    rid = poi_region_id[user_seq]                     # gather: [B, S]
    emb = region_emb[rid]                             # gather: [B, S, D]
    cnt = jnp.sum(mask, axis=1, keepdims=True)        # [B, 1]
    user_pref = jnp.sum(emb * mask[:, :, None], axis=1) / jnp.maximum(cnt, 1.0)  # [B, D]
    # --- region_similarity_scores (sim_type='dot') ---
    r_emb = region_emb[poi_region_id]                 # gather: [NUM_POIS, D]
    region_scores = user_pref @ r_emb.T               # [B, NUM_POIS]
    calibrated = alpha * region_scores
    # --- rerank-only path: top-M masking + scatter ---
    _, topm_idx = jax.lax.top_k(pred_base, TOPM)      # [B, TOPM]
    gathered = jnp.take_along_axis(calibrated, topm_idx, axis=1)
    rows = jnp.arange(pred_base.shape[0])[:, None]
    rerank_delta = jnp.zeros_like(pred_base).at[rows, topm_idx].set(gathered)
    pred = pred_base + rerank_delta
    return pred, user_pref

if __name__ == "__main__":
    import jax
    _d = setup_inputs()
    print(jax.jit(kernel)(*tuple(_d.values())))

</pallas_src>

<mosaic_0001>
#map = affine_map<(d0, d1) -> (0, 0)>
#map1 = affine_map<(d0, d1) -> (0)>
module attributes {stable_mosaic.version = 14 : i64} {
  func.func @_user_pref_body(%arg0: i32, %arg1: i32, %arg2: memref<1024x200xi32, #tpu.memory_space<hbm>>, %arg3: memref<1024xi32, #tpu.memory_space<hbm>>, %arg4: memref<100000xi32, #tpu.memory_space<hbm>>, %arg5: memref<1000x128xf32, #tpu.memory_space<hbm>>, %arg6: memref<1024x64xf32, #tpu.memory_space<hbm>>, %arg7: memref<32x200xi32, #tpu.memory_space<vmem>>, %arg8: memref<32xi32, #tpu.memory_space<vmem>>, %arg9: memref<16xi32, #tpu.memory_space<vmem>>, %arg10: memref<16x128xf32, #tpu.memory_space<vmem>>, %arg11: memref<32x64xf32, #tpu.memory_space<vmem>>, %arg12: memref<!tpu.dma_semaphore, #tpu.memory_space<semaphore_mem>>, %arg13: memref<!tpu.dma_semaphore, #tpu.memory_space<semaphore_mem>>) attributes {dimension_semantics = [#tpu.dimension_semantics<core_parallel>, #tpu.dimension_semantics<subcore_parallel>], iteration_bounds = array<i64: 2, 16>, scalar_prefetch = 0 : i64, scratch_operands = 7 : i64, tpu.core_type = #tpu.core_type<sc_vector_subcore>, window_params = [{transform_indices = #map}, {transform_indices = #map1}, {transform_indices = #map1}, {transform_indices = #map}, {transform_indices = #map}]} {
    %mul3A = arith.constant 2 : i32
    %mul3A_0 = arith.muli %arg1, %mul3A : i32
    %add3A = arith.addi %mul3A_0, %arg0 : i32
    %mul3A_1 = arith.constant 32 : i32
    %mul3A_2 = arith.muli %add3A, %mul3A_1 : i32
    "tpu.region"() ({
      %run_scoped3A = tpu.sem_alloc : memref<!tpu.dma_semaphore, #tpu.memory_space<semaphore_mem>>
      %dma_start3A = arith.constant 0 : i32
      %dma_start3A_8 = tpu.memref_slice %arg2[%mul3A_2, %dma_start3A] : memref<1024x200xi32, #tpu.memory_space<hbm>> -> memref<32x200xi32, #tpu.memory_space<hbm>>
      %dma_start3A_9 = arith.constant 0 : i32
      %dma_start3A_10 = tpu.memref_slice %arg2[%mul3A_2, %dma_start3A_9] : memref<1024x200xi32, #tpu.memory_space<hbm>> -> memref<32x200xi32, #tpu.memory_space<hbm>>
      tpu.enqueue_dma source(%dma_start3A_10 : memref<32x200xi32, #tpu.memory_space<hbm>>) target(%arg7 : memref<32x200xi32, #tpu.memory_space<vmem>>) target_semaphore(%run_scoped3A : memref<!tpu.dma_semaphore, #tpu.memory_space<semaphore_mem>>)
      %dma_wait3A = arith.constant 0 : i32
      %dma_wait3A_11 = tpu.memref_slice %arg2[%mul3A_2, %dma_wait3A] : memref<1024x200xi32, #tpu.memory_space<hbm>> -> memref<32x200xi32, #tpu.memory_space<hbm>>
      %dma_wait3A_12 = arith.constant 0 : i32
      %dma_wait3A_13 = tpu.memref_slice %arg2[%mul3A_2, %dma_wait3A_12] : memref<1024x200xi32, #tpu.memory_space<hbm>> -> memref<32x200xi32, #tpu.memory_space<hbm>>
      tpu.wait_dma2 semaphore(%run_scoped3A : memref<!tpu.dma_semaphore, #tpu.memory_space<semaphore_mem>>) src(%dma_wait3A_13 : memref<32x200xi32, #tpu.memory_space<hbm>>) dst(%arg7 : memref<32x200xi32, #tpu.memory_space<vmem>>)
      tpu.yield
    }) : () -> ()
    "tpu.region"() ({
      %run_scoped3A = tpu.sem_alloc : memref<!tpu.dma_semaphore, #tpu.memory_space<semaphore_mem>>
      %dma_start3A = tpu.memref_slice %arg3[%mul3A_2] : memref<1024xi32, #tpu.memory_space<hbm>> -> memref<32xi32, #tpu.memory_space<hbm>>
      %dma_start3A_8 = tpu.memref_slice %arg3[%mul3A_2] : memref<1024xi32, #tpu.memory_space<hbm>> -> memref<32xi32, #tpu.memory_space<hbm>>
      tpu.enqueue_dma source(%dma_start3A_8 : memref<32xi32, #tpu.memory_space<hbm>>) target(%arg8 : memref<32xi32, #tpu.memory_space<vmem>>) target_semaphore(%run_scoped3A : memref<!tpu.dma_semaphore, #tpu.memory_space<semaphore_mem>>)
      %dma_wait3A = tpu.memref_slice %arg3[%mul3A_2] : memref<1024xi32, #tpu.memory_space<hbm>> -> memref<32xi32, #tpu.memory_space<hbm>>
      %dma_wait3A_9 = tpu.memref_slice %arg3[%mul3A_2] : memref<1024xi32, #tpu.memory_space<hbm>> -> memref<32xi32, #tpu.memory_space<hbm>>
      tpu.wait_dma2 semaphore(%run_scoped3A : memref<!tpu.dma_semaphore, #tpu.memory_space<semaphore_mem>>) src(%dma_wait3A_9 : memref<32xi32, #tpu.memory_space<hbm>>) dst(%arg8 : memref<32xi32, #tpu.memory_space<vmem>>)
      tpu.yield
    }) : () -> ()
    %iota3A = tpu.iota {dimensions = array<i32: 0>} : vector<16xi32>
    %scan3A = arith.constant 0 : i32
    %scan3A_3 = arith.constant 0 : i32
    %scan3A_4 = arith.constant 32 : i32
    %scan3A_5 = arith.addi %scan3A_3, %scan3A_4 : i32
    %scan3A_6 = arith.constant 1 : i32
    scf.for %scan3A_8 = %scan3A_3 to %scan3A_5 step %scan3A_6  : i32 {
      %broadcast_in_dim3A = vector.broadcast %scan3A_8 : i32 to vector<16xi32>
      %gather3A = tpu.vector_load_idx %arg8[%broadcast_in_dim3A] : memref<32xi32, #tpu.memory_space<vmem>>[vector<16xi32>], vector<16xi32>,
      %reduce_max3A = arith.constant true
      %reduce_max3A_9 = vector.broadcast %reduce_max3A : i1 to vector<16xi1>
      %reduce_max3A_10 = arith.constant -2147483648 : i32
      %reduce_max3A_11 = vector.broadcast %reduce_max3A_10 : i32 to vector<16xi32>
      %reduce_max3A_12 = arith.xori %gather3A, %reduce_max3A_11 : vector<16xi32>
      %reduce_max3A_13 = tpu.scan <max>, %reduce_max3A_12 masked %reduce_max3A_9 : vector<16xi32>, vector<16xi1> -> vector<16xi32>
      %reduce_max3A_14 = arith.xori %reduce_max3A_13, %reduce_max3A_11 : vector<16xi32>
      %reduce_max3A_15 = vector.extract %reduce_max3A_14[15] : i32 from vector<16xi32>
      %sub3A = arith.constant 10 : i32
      %sub3A_16 = arith.subi %reduce_max3A_15, %sub3A : i32
      %max3A = arith.constant 0 : i32
      %max3A_17 = arith.maxsi %sub3A_16, %max3A : i32
      %sub3A_18 = arith.subi %reduce_max3A_15, %max3A_17 : i32
      %add3A_19 = vector.broadcast %max3A_17 : i32 to vector<16xi32>
      %add3A_20 = arith.addi %add3A_19, %iota3A : vector<16xi32>
      %min3A = arith.constant 199 : i32
      %min3A_21 = vector.broadcast %min3A : i32 to vector<16xi32>
      %min3A_22 = arith.minsi %add3A_20, %min3A_21 : vector<16xi32>
      %gather3A_23 = tpu.vector_load_idx %arg7[%broadcast_in_dim3A, %min3A_22] : memref<32x200xi32, #tpu.memory_space<vmem>>[vector<16xi32>, vector<16xi32>], vector<16xi32>,
      %dma_start3A = arith.constant 0 : i32
      %dma_start3A_24 = tpu.memref_slice %arg4[%dma_start3A] : memref<100000xi32, #tpu.memory_space<hbm>> -> memref<100000xi32, #tpu.memory_space<hbm>>
      tpu.enqueue_indirect_dma source(%dma_start3A_24 : memref<100000xi32, #tpu.memory_space<hbm>>) target(%arg9 : memref<16xi32, #tpu.memory_space<vmem>>) offsets(%gather3A_23 : vector<16xi32>) semaphore(%arg12 : memref<!tpu.dma_semaphore, #tpu.memory_space<semaphore_mem>>)
      %dma_wait3A = arith.constant 0 : i32
      %dma_wait3A_25 = tpu.memref_slice %arg4[%dma_wait3A] : memref<100000xi32, #tpu.memory_space<hbm>> -> memref<100000xi32, #tpu.memory_space<hbm>>
      tpu.wait_indirect_dma semaphore(%arg12 : memref<!tpu.dma_semaphore, #tpu.memory_space<semaphore_mem>>) src(%dma_wait3A_25 : memref<100000xi32, #tpu.memory_space<hbm>>) dst(%arg9 : memref<16xi32, #tpu.memory_space<vmem>>)
      %dma_start3A_26 = arith.constant 0 : i32
      %dma_start3A_27 = arith.constant 0 : i32
      %dma_start3A_28 = tpu.memref_slice %arg5[%dma_start3A_26, %dma_start3A_27] : memref<1000x128xf32, #tpu.memory_space<hbm>> -> memref<1000x128xf32, #tpu.memory_space<hbm>>
      tpu.enqueue_indirect_dma source(%dma_start3A_28 : memref<1000x128xf32, #tpu.memory_space<hbm>>) target(%arg10 : memref<16x128xf32, #tpu.memory_space<vmem>>) offsets(%arg9 : memref<16xi32, #tpu.memory_space<vmem>>) semaphore(%arg13 : memref<!tpu.dma_semaphore, #tpu.memory_space<semaphore_mem>>)
      %dma_wait3A_29 = arith.constant 0 : i32
      %dma_wait3A_30 = arith.constant 0 : i32
      %dma_wait3A_31 = tpu.memref_slice %arg5[%dma_wait3A_29, %dma_wait3A_30] : memref<1000x128xf32, #tpu.memory_space<hbm>> -> memref<1000x128xf32, #tpu.memory_space<hbm>>
      tpu.wait_indirect_dma semaphore(%arg13 : memref<!tpu.dma_semaphore, #tpu.memory_space<semaphore_mem>>) src(%dma_wait3A_31 : memref<1000x128xf32, #tpu.memory_space<hbm>>) dst(%arg10 : memref<16x128xf32, #tpu.memory_space<vmem>>)
      %lt3A = vector.broadcast %sub3A_18 : i32 to vector<16xi32>
      %lt3A_32 = arith.cmpi slt, %iota3A, %lt3A : vector<16xi32>
      %jit3A = arith.constant 1.000000e+00 : f32
      %jit3A_33 = arith.constant 0.000000e+00 : f32
      %broadcast_in_dim3A_34 = vector.broadcast %jit3A : f32 to vector<16xf32>
      %broadcast_in_dim3A_35 = vector.broadcast %jit3A_33 : f32 to vector<16xf32>
      %select_n3A = arith.select %lt3A_32, %broadcast_in_dim3A_34, %broadcast_in_dim3A_35 : vector<16xi1>, vector<16xf32>
      %eq3A = arith.constant 2 : i32
      %eq3A_36 = arith.cmpi eq, %sub3A_18, %eq3A : i32
      %jit3A_37 = arith.constant 5.000000e-01 : f32
      %jit3A_38 = arith.constant 1.000000e+00 : f32
      %select_n3A_39 = arith.select %eq3A_36, %jit3A_37, %jit3A_38 : f32
      %eq3A_40 = arith.constant 3 : i32
      %eq3A_41 = arith.cmpi eq, %sub3A_18, %eq3A_40 : i32
      %jit3A_42 = arith.constant 0.333333343 : f32
      %select_n3A_43 = arith.select %eq3A_41, %jit3A_42, %select_n3A_39 : f32
      %eq3A_44 = arith.constant 4 : i32
      %eq3A_45 = arith.cmpi eq, %sub3A_18, %eq3A_44 : i32
      %jit3A_46 = arith.constant 2.500000e-01 : f32
      %select_n3A_47 = arith.select %eq3A_45, %jit3A_46, %select_n3A_43 : f32
      %eq3A_48 = arith.constant 5 : i32
      %eq3A_49 = arith.cmpi eq, %sub3A_18, %eq3A_48 : i32
      %jit3A_50 = arith.constant 2.000000e-01 : f32
      %select_n3A_51 = arith.select %eq3A_49, %jit3A_50, %select_n3A_47 : f32
      %eq3A_52 = arith.constant 6 : i32
      %eq3A_53 = arith.cmpi eq, %sub3A_18, %eq3A_52 : i32
      %jit3A_54 = arith.constant 0.166666672 : f32
      %select_n3A_55 = arith.select %eq3A_53, %jit3A_54, %select_n3A_51 : f32
      %eq3A_56 = arith.constant 7 : i32
      %eq3A_57 = arith.cmpi eq, %sub3A_18, %eq3A_56 : i32
      %jit3A_58 = arith.constant 0.142857149 : f32
      %select_n3A_59 = arith.select %eq3A_57, %jit3A_58, %select_n3A_55 : f32
      %eq3A_60 = arith.constant 8 : i32
      %eq3A_61 = arith.cmpi eq, %sub3A_18, %eq3A_60 : i32
      %jit3A_62 = arith.constant 1.250000e-01 : f32
      %select_n3A_63 = arith.select %eq3A_61, %jit3A_62, %select_n3A_59 : f32
      %eq3A_64 = arith.constant 9 : i32
      %eq3A_65 = arith.cmpi eq, %sub3A_18, %eq3A_64 : i32
      %jit3A_66 = arith.constant 0.111111112 : f32
      %select_n3A_67 = arith.select %eq3A_65, %jit3A_66, %select_n3A_63 : f32
      %eq3A_68 = arith.constant 10 : i32
      %eq3A_69 = arith.cmpi eq, %sub3A_18, %eq3A_68 : i32
      %jit3A_70 = arith.constant 1.000000e-01 : f32
      %select_n3A_71 = arith.select %eq3A_69, %jit3A_70, %select_n3A_67 : f32
      %broadcast_in_dim3A_72 = arith.constant 0.000000e+00 : f32
      %broadcast_in_dim3A_73 = vector.broadcast %broadcast_in_dim3A_72 : f32 to vector<16xf32>
      %eq3A_74 = arith.constant 0 : i32
      %eq3A_75 = vector.broadcast %eq3A_74 : i32 to vector<16xi32>
      %eq3A_76 = arith.cmpi eq, %iota3A, %eq3A_75 : vector<16xi32>
      %jit3A_77 = arith.constant 0.000000e+00 : f32
      %broadcast_in_dim3A_78 = vector.broadcast %jit3A_77 : f32 to vector<16xf32>
      %select_n3A_79 = arith.select %eq3A_76, %select_n3A, %broadcast_in_dim3A_78 : vector<16xi1>, vector<16xf32>
      %reduce_max3A_80 = arith.constant true
      %reduce_max3A_81 = vector.broadcast %reduce_max3A_80 : i1 to vector<16xi1>
      %reduce_max3A_82 = tpu.scan <max>, %select_n3A_79 masked %reduce_max3A_81 : vector<16xf32>, vector<16xi1> -> vector<16xf32>
      %reduce_max3A_83 = vector.extract %reduce_max3A_82[15] : f32 from vector<16xf32>
      %get3A = arith.constant 0 : i32
      %get3A_84 = arith.index_cast %get3A : i32 to index
      %get3A_85 = arith.constant 0 : index
      %get3A_86 = tpu.vector_load %arg10[%get3A_84, %get3A_85] {strides = array<i32>} : memref<16x128xf32, #tpu.memory_space<vmem>>, vector<16xf32>,
      %mul3A_87 = vector.broadcast %reduce_max3A_83 : f32 to vector<16xf32>
      %mul3A_88 = arith.mulf %get3A_86, %mul3A_87 : vector<16xf32>
      %add3A_89 = arith.addf %broadcast_in_dim3A_73, %mul3A_88 : vector<16xf32>
      %eq3A_90 = arith.constant 1 : i32
      %eq3A_91 = vector.broadcast %eq3A_90 : i32 to vector<16xi32>
      %eq3A_92 = arith.cmpi eq, %iota3A, %eq3A_91 : vector<16xi32>
      %jit3A_93 = arith.constant 0.000000e+00 : f32
      %broadcast_in_dim3A_94 = vector.broadcast %jit3A_93 : f32 to vector<16xf32>
      %select_n3A_95 = arith.select %eq3A_92, %select_n3A, %broadcast_in_dim3A_94 : vector<16xi1>, vector<16xf32>
      %reduce_max3A_96 = arith.constant true
      %reduce_max3A_97 = vector.broadcast %reduce_max3A_96 : i1 to vector<16xi1>
      %reduce_max3A_98 = tpu.scan <max>, %select_n3A_95 masked %reduce_max3A_97 : vector<16xf32>, vector<16xi1> -> vector<16xf32>
      %reduce_max3A_99 = vector.extract %reduce_max3A_98[15] : f32 from vector<16xf32>
      %get3A_100 = arith.constant 1 : i32
      %get3A_101 = arith.index_cast %get3A_100 : i32 to index
      %get3A_102 = arith.constant 0 : index
      %get3A_103 = tpu.vector_load %arg10[%get3A_101, %get3A_102] {strides = array<i32>} : memref<16x128xf32, #tpu.memory_space<vmem>>, vector<16xf32>,
      %mul3A_104 = vector.broadcast %reduce_max3A_99 : f32 to vector<16xf32>
      %mul3A_105 = arith.mulf %get3A_103, %mul3A_104 : vector<16xf32>
      %add3A_106 = arith.addf %add3A_89, %mul3A_105 : vector<16xf32>
      %eq3A_107 = arith.constant 2 : i32
      %eq3A_108 = vector.broadcast %eq3A_107 : i32 to vector<16xi32>
      %eq3A_109 = arith.cmpi eq, %iota3A, %eq3A_108 : vector<16xi32>
      %jit3A_110 = arith.constant 0.000000e+00 : f32
      %broadcast_in_dim3A_111 = vector.broadcast %jit3A_110 : f32 to vector<16xf32>
      %select_n3A_112 = arith.select %eq3A_109, %select_n3A, %broadcast_in_dim3A_111 : vector<16xi1>, vector<16xf32>
      %reduce_max3A_113 = arith.constant true
      %reduce_max3A_114 = vector.broadcast %reduce_max3A_113 : i1 to vector<16xi1>
      %reduce_max3A_115 = tpu.scan <max>, %select_n3A_112 masked %reduce_max3A_114 : vector<16xf32>, vector<16xi1> -> vector<16xf32>
      %reduce_max3A_116 = vector.extract %reduce_max3A_115[15] : f32 from vector<16xf32>
      %get3A_117 = arith.constant 2 : i32
      %get3A_118 = arith.index_cast %get3A_117 : i32 to index
      %get3A_119 = arith.constant 0 : index
      %get3A_120 = tpu.vector_load %arg10[%get3A_118, %get3A_119] {strides = array<i32>} : memref<16x128xf32, #tpu.memory_space<vmem>>, vector<16xf32>,
      %mul3A_121 = vector.broadcast %reduce_max3A_116 : f32 to vector<16xf32>
      %mul3A_122 = arith.mulf %get3A_120, %mul3A_121 : vector<16xf32>
      %add3A_123 = arith.addf %add3A_106, %mul3A_122 : vector<16xf32>
      %eq3A_124 = arith.constant 3 : i32
      %eq3A_125 = vector.broadcast %eq3A_124 : i32 to vector<16xi32>
      %eq3A_126 = arith.cmpi eq, %iota3A, %eq3A_125 : vector<16xi32>
      %jit3A_127 = arith.constant 0.000000e+00 : f32
      %broadcast_in_dim3A_128 = vector.broadcast %jit3A_127 : f32 to vector<16xf32>
      %select_n3A_129 = arith.select %eq3A_126, %select_n3A, %broadcast_in_dim3A_128 : vector<16xi1>, vector<16xf32>
      %reduce_max3A_130 = arith.constant true
      %reduce_max3A_131 = vector.broadcast %reduce_max3A_130 : i1 to vector<16xi1>
      %reduce_max3A_132 = tpu.scan <max>, %select_n3A_129 masked %reduce_max3A_131 : vector<16xf32>, vector<16xi1> -> vector<16xf32>
      %reduce_max3A_133 = vector.extract %reduce_max3A_132[15] : f32 from vector<16xf32>
      %get3A_134 = arith.constant 3 : i32
      %get3A_135 = arith.index_cast %get3A_134 : i32 to index
      %get3A_136 = arith.constant 0 : index
      %get3A_137 = tpu.vector_load %arg10[%get3A_135, %get3A_136] {strides = array<i32>} : memref<16x128xf32, #tpu.memory_space<vmem>>, vector<16xf32>,
      %mul3A_138 = vector.broadcast %reduce_max3A_133 : f32 to vector<16xf32>
      %mul3A_139 = arith.mulf %get3A_137, %mul3A_138 : vector<16xf32>
      %add3A_140 = arith.addf %add3A_123, %mul3A_139 : vector<16xf32>
      %eq3A_141 = arith.constant 4 : i32
      %eq3A_142 = vector.broadcast %eq3A_141 : i32 to vector<16xi32>
      %eq3A_143 = arith.cmpi eq, %iota3A, %eq3A_142 : vector<16xi32>
      %jit3A_144 = arith.constant 0.000000e+00 : f32
      %broadcast_in_dim3A_145 = vector.broadcast %jit3A_144 : f32 to vector<16xf32>
      %select_n3A_146 = arith.select %eq3A_143, %select_n3A, %broadcast_in_dim3A_145 : vector<16xi1>, vector<16xf32>
      %reduce_max3A_147 = arith.constant true
      %reduce_max3A_148 = vector.broadcast %reduce_max3A_147 : i1 to vector<16xi1>
      %reduce_max3A_149 = tpu.scan <max>, %select_n3A_146 masked %reduce_max3A_148 : vector<16xf32>, vector<16xi1> -> vector<16xf32>
      %reduce_max3A_150 = vector.extract %reduce_max3A_149[15] : f32 from vector<16xf32>
      %get3A_151 = arith.constant 4 : i32
      %get3A_152 = arith.index_cast %get3A_151 : i32 to index
      %get3A_153 = arith.constant 0 : index
      %get3A_154 = tpu.vector_load %arg10[%get3A_152, %get3A_153] {strides = array<i32>} : memref<16x128xf32, #tpu.memory_space<vmem>>, vector<16xf32>,
      %mul3A_155 = vector.broadcast %reduce_max3A_150 : f32 to vector<16xf32>
      %mul3A_156 = arith.mulf %get3A_154, %mul3A_155 : vector<16xf32>
      %add3A_157 = arith.addf %add3A_140, %mul3A_156 : vector<16xf32>
      %eq3A_158 = arith.constant 5 : i32
      %eq3A_159 = vector.broadcast %eq3A_158 : i32 to vector<16xi32>
      %eq3A_160 = arith.cmpi eq, %iota3A, %eq3A_159 : vector<16xi32>
      %jit3A_161 = arith.constant 0.000000e+00 : f32
      %broadcast_in_dim3A_162 = vector.broadcast %jit3A_161 : f32 to vector<16xf32>
      %select_n3A_163 = arith.select %eq3A_160, %select_n3A, %broadcast_in_dim3A_162 : vector<16xi1>, vector<16xf32>
      %reduce_max3A_164 = arith.constant true
      %reduce_max3A_165 = vector.broadcast %reduce_max3A_164 : i1 to vector<16xi1>
      %reduce_max3A_166 = tpu.scan <max>, %select_n3A_163 masked %reduce_max3A_165 : vector<16xf32>, vector<16xi1> -> vector<16xf32>
      %reduce_max3A_167 = vector.extract %reduce_max3A_166[15] : f32 from vector<16xf32>
      %get3A_168 = arith.constant 5 : i32
      %get3A_169 = arith.index_cast %get3A_168 : i32 to index
      %get3A_170 = arith.constant 0 : index
      %get3A_171 = tpu.vector_load %arg10[%get3A_169, %get3A_170] {strides = array<i32>} : memref<16x128xf32, #tpu.memory_space<vmem>>, vector<16xf32>,
      %mul3A_172 = vector.broadcast %reduce_max3A_167 : f32 to vector<16xf32>
      %mul3A_173 = arith.mulf %get3A_171, %mul3A_172 : vector<16xf32>
      %add3A_174 = arith.addf %add3A_157, %mul3A_173 : vector<16xf32>
      %eq3A_175 = arith.constant 6 : i32
      %eq3A_176 = vector.broadcast %eq3A_175 : i32 to vector<16xi32>
      %eq3A_177 = arith.cmpi eq, %iota3A, %eq3A_176 : vector<16xi32>
      %jit3A_178 = arith.constant 0.000000e+00 : f32
      %broadcast_in_dim3A_179 = vector.broadcast %jit3A_178 : f32 to vector<16xf32>
      %select_n3A_180 = arith.select %eq3A_177, %select_n3A, %broadcast_in_dim3A_179 : vector<16xi1>, vector<16xf32>
      %reduce_max3A_181 = arith.constant true
      %reduce_max3A_182 = vector.broadcast %reduce_max3A_181 : i1 to vector<16xi1>
      %reduce_max3A_183 = tpu.scan <max>, %select_n3A_180 masked %reduce_max3A_182 : vector<16xf32>, vector<16xi1> -> vector<16xf32>
      %reduce_max3A_184 = vector.extract %reduce_max3A_183[15] : f32 from vector<16xf32>
      %get3A_185 = arith.constant 6 : i32
      %get3A_186 = arith.index_cast %get3A_185 : i32 to index
      %get3A_187 = arith.constant 0 : index
      %get3A_188 = tpu.vector_load %arg10[%get3A_186, %get3A_187] {strides = array<i32>} : memref<16x128xf32, #tpu.memory_space<vmem>>, vector<16xf32>,
      %mul3A_189 = vector.broadcast %reduce_max3A_184 : f32 to vector<16xf32>
      %mul3A_190 = arith.mulf %get3A_188, %mul3A_189 : vector<16xf32>
      %add3A_191 = arith.addf %add3A_174, %mul3A_190 : vector<16xf32>
      %eq3A_192 = arith.constant 7 : i32
      %eq3A_193 = vector.broadcast %eq3A_192 : i32 to vector<16xi32>
      %eq3A_194 = arith.cmpi eq, %iota3A, %eq3A_193 : vector<16xi32>
      %jit3A_195 = arith.constant 0.000000e+00 : f32
      %broadcast_in_dim3A_196 = vector.broadcast %jit3A_195 : f32 to vector<16xf32>
      %select_n3A_197 = arith.select %eq3A_194, %select_n3A, %broadcast_in_dim3A_196 : vector<16xi1>, vector<16xf32>
      %reduce_max3A_198 = arith.constant true
      %reduce_max3A_199 = vector.broadcast %reduce_max3A_198 : i1 to vector<16xi1>
      %reduce_max3A_200 = tpu.scan <max>, %select_n3A_197 masked %reduce_max3A_199 : vector<16xf32>, vector<16xi1> -> vector<16xf32>
      %reduce_max3A_201 = vector.extract %reduce_max3A_200[15] : f32 from vector<16xf32>
      %get3A_202 = arith.constant 7 : i32
      %get3A_203 = arith.index_cast %get3A_202 : i32 to index
      %get3A_204 = arith.constant 0 : index
      %get3A_205 = tpu.vector_load %arg10[%get3A_203, %get3A_204] {strides = array<i32>} : memref<16x128xf32, #tpu.memory_space<vmem>>, vector<16xf32>,
      %mul3A_206 = vector.broadcast %reduce_max3A_201 : f32 to vector<16xf32>
      %mul3A_207 = arith.mulf %get3A_205, %mul3A_206 : vector<16xf32>
      %add3A_208 = arith.addf %add3A_191, %mul3A_207 : vector<16xf32>
      %eq3A_209 = arith.constant 8 : i32
      %eq3A_210 = vector.broadcast %eq3A_209 : i32 to vector<16xi32>
      %eq3A_211 = arith.cmpi eq, %iota3A, %eq3A_210 : vector<16xi32>
      %jit3A_212 = arith.constant 0.000000e+00 : f32
      %broadcast_in_dim3A_213 = vector.broadcast %jit3A_212 : f32 to vector<16xf32>
      %select_n3A_214 = arith.select %eq3A_211, %select_n3A, %broadcast_in_dim3A_213 : vector<16xi1>, vector<16xf32>
      %reduce_max3A_215 = arith.constant true
      %reduce_max3A_216 = vector.broadcast %reduce_max3A_215 : i1 to vector<16xi1>
      %reduce_max3A_217 = tpu.scan <max>, %select_n3A_214 masked %reduce_max3A_216 : vector<16xf32>, vector<16xi1> -> vector<16xf32>
      %reduce_max3A_218 = vector.extract %reduce_max3A_217[15] : f32 from vector<16xf32>
      %get3A_219 = arith.constant 8 : i32
      %get3A_220 = arith.index_cast %get3A_219 : i32 to index
      %get3A_221 = arith.constant 0 : index
      %get3A_222 = tpu.vector_load %arg10[%get3A_220, %get3A_221] {strides = array<i32>} : memref<16x128xf32, #tpu.memory_space<vmem>>, vector<16xf32>,
      %mul3A_223 = vector.broadcast %reduce_max3A_218 : f32 to vector<16xf32>
      %mul3A_224 = arith.mulf %get3A_222, %mul3A_223 : vector<16xf32>
      %add3A_225 = arith.addf %add3A_208, %mul3A_224 : vector<16xf32>
      %eq3A_226 = arith.constant 9 : i32
      %eq3A_227 = vector.broadcast %eq3A_226 : i32 to vector<16xi32>
      %eq3A_228 = arith.cmpi eq, %iota3A, %eq3A_227 : vector<16xi32>
      %jit3A_229 = arith.constant 0.000000e+00 : f32
      %broadcast_in_dim3A_230 = vector.broadcast %jit3A_229 : f32 to vector<16xf32>
      %select_n3A_231 = arith.select %eq3A_228, %select_n3A, %broadcast_in_dim3A_230 : vector<16xi1>, vector<16xf32>
      %reduce_max3A_232 = arith.constant true
      %reduce_max3A_233 = vector.broadcast %reduce_max3A_232 : i1 to vector<16xi1>
      %reduce_max3A_234 = tpu.scan <max>, %select_n3A_231 masked %reduce_max3A_233 : vector<16xf32>, vector<16xi1> -> vector<16xf32>
      %reduce_max3A_235 = vector.extract %reduce_max3A_234[15] : f32 from vector<16xf32>
      %get3A_236 = arith.constant 9 : i32
      %get3A_237 = arith.index_cast %get3A_236 : i32 to index
      %get3A_238 = arith.constant 0 : index
      %get3A_239 = tpu.vector_load %arg10[%get3A_237, %get3A_238] {strides = array<i32>} : memref<16x128xf32, #tpu.memory_space<vmem>>, vector<16xf32>,
      %mul3A_240 = vector.broadcast %reduce_max3A_235 : f32 to vector<16xf32>
      %mul3A_241 = arith.mulf %get3A_239, %mul3A_240 : vector<16xf32>
      %add3A_242 = arith.addf %add3A_225, %mul3A_241 : vector<16xf32>
      %eq3A_243 = arith.constant 10 : i32
      %eq3A_244 = vector.broadcast %eq3A_243 : i32 to vector<16xi32>
      %eq3A_245 = arith.cmpi eq, %iota3A, %eq3A_244 : vector<16xi32>
      %jit3A_246 = arith.constant 0.000000e+00 : f32
      %broadcast_in_dim3A_247 = vector.broadcast %jit3A_246 : f32 to vector<16xf32>
      %select_n3A_248 = arith.select %eq3A_245, %select_n3A, %broadcast_in_dim3A_247 : vector<16xi1>, vector<16xf32>
      %reduce_max3A_249 = arith.constant true
      %reduce_max3A_250 = vector.broadcast %reduce_max3A_249 : i1 to vector<16xi1>
      %reduce_max3A_251 = tpu.scan <max>, %select_n3A_248 masked %reduce_max3A_250 : vector<16xf32>, vector<16xi1> -> vector<16xf32>
      %reduce_max3A_252 = vector.extract %reduce_max3A_251[15] : f32 from vector<16xf32>
      %get3A_253 = arith.constant 10 : i32
      %get3A_254 = arith.index_cast %get3A_253 : i32 to index
      %get3A_255 = arith.constant 0 : index
      %get3A_256 = tpu.vector_load %arg10[%get3A_254, %get3A_255] {strides = array<i32>} : memref<16x128xf32, #tpu.memory_space<vmem>>, vector<16xf32>,
      %mul3A_257 = vector.broadcast %reduce_max3A_252 : f32 to vector<16xf32>
      %mul3A_258 = arith.mulf %get3A_256, %mul3A_257 : vector<16xf32>
      %add3A_259 = arith.addf %add3A_242, %mul3A_258 : vector<16xf32>
      %eq3A_260 = arith.constant 11 : i32
      %eq3A_261 = vector.broadcast %eq3A_260 : i32 to vector<16xi32>
      %eq3A_262 = arith.cmpi eq, %iota3A, %eq3A_261 : vector<16xi32>
      %jit3A_263 = arith.constant 0.000000e+00 : f32
      %broadcast_in_dim3A_264 = vector.broadcast %jit3A_263 : f32 to vector<16xf32>
      %select_n3A_265 = arith.select %eq3A_262, %select_n3A, %broadcast_in_dim3A_264 : vector<16xi1>, vector<16xf32>
      %reduce_max3A_266 = arith.constant true
      %reduce_max3A_267 = vector.broadcast %reduce_max3A_266 : i1 to vector<16xi1>
      %reduce_max3A_268 = tpu.scan <max>, %select_n3A_265 masked %reduce_max3A_267 : vector<16xf32>, vector<16xi1> -> vector<16xf32>
      %reduce_max3A_269 = vector.extract %reduce_max3A_268[15] : f32 from vector<16xf32>
      %get3A_270 = arith.constant 11 : i32
      %get3A_271 = arith.index_cast %get3A_270 : i32 to index
      %get3A_272 = arith.constant 0 : index
      %get3A_273 = tpu.vector_load %arg10[%get3A_271, %get3A_272] {strides = array<i32>} : memref<16x128xf32, #tpu.memory_space<vmem>>, vector<16xf32>,
      %mul3A_274 = vector.broadcast %reduce_max3A_269 : f32 to vector<16xf32>
      %mul3A_275 = arith.mulf %get3A_273, %mul3A_274 : vector<16xf32>
      %add3A_276 = arith.addf %add3A_259, %mul3A_275 : vector<16xf32>
      %eq3A_277 = arith.constant 12 : i32
      %eq3A_278 = vector.broadcast %eq3A_277 : i32 to vector<16xi32>
      %eq3A_279 = arith.cmpi eq, %iota3A, %eq3A_278 : vector<16xi32>
      %jit3A_280 = arith.constant 0.000000e+00 : f32
      %broadcast_in_dim3A_281 = vector.broadcast %jit3A_280 : f32 to vector<16xf32>
      %select_n3A_282 = arith.select %eq3A_279, %select_n3A, %broadcast_in_dim3A_281 : vector<16xi1>, vector<16xf32>
      %reduce_max3A_283 = arith.constant true
      %reduce_max3A_284 = vector.broadcast %reduce_max3A_283 : i1 to vector<16xi1>
      %reduce_max3A_285 = tpu.scan <max>, %select_n3A_282 masked %reduce_max3A_284 : vector<16xf32>, vector<16xi1> -> vector<16xf32>
      %reduce_max3A_286 = vector.extract %reduce_max3A_285[15] : f32 from vector<16xf32>
      %get3A_287 = arith.constant 12 : i32
      %get3A_288 = arith.index_cast %get3A_287 : i32 to index
      %get3A_289 = arith.constant 0 : index
      %get3A_290 = tpu.vector_load %arg10[%get3A_288, %get3A_289] {strides = array<i32>} : memref<16x128xf32, #tpu.memory_space<vmem>>, vector<16xf32>,
      %mul3A_291 = vector.broadcast %reduce_max3A_286 : f32 to vector<16xf32>
      %mul3A_292 = arith.mulf %get3A_290, %mul3A_291 : vector<16xf32>
      %add3A_293 = arith.addf %add3A_276, %mul3A_292 : vector<16xf32>
      %eq3A_294 = arith.constant 13 : i32
      %eq3A_295 = vector.broadcast %eq3A_294 : i32 to vector<16xi32>
      %eq3A_296 = arith.cmpi eq, %iota3A, %eq3A_295 : vector<16xi32>
      %jit3A_297 = arith.constant 0.000000e+00 : f32
      %broadcast_in_dim3A_298 = vector.broadcast %jit3A_297 : f32 to vector<16xf32>
      %select_n3A_299 = arith.select %eq3A_296, %select_n3A, %broadcast_in_dim3A_298 : vector<16xi1>, vector<16xf32>
      %reduce_max3A_300 = arith.constant true
      %reduce_max3A_301 = vector.broadcast %reduce_max3A_300 : i1 to vector<16xi1>
      %reduce_max3A_302 = tpu.scan <max>, %select_n3A_299 masked %reduce_max3A_301 : vector<16xf32>, vector<16xi1> -> vector<16xf32>
      %reduce_max3A_303 = vector.extract %reduce_max3A_302[15] : f32 from vector<16xf32>
      %get3A_304 = arith.constant 13 : i32
      %get3A_305 = arith.index_cast %get3A_304 : i32 to index
      %get3A_306 = arith.constant 0 : index
      %get3A_307 = tpu.vector_load %arg10[%get3A_305, %get3A_306] {strides = array<i32>} : memref<16x128xf32, #tpu.memory_space<vmem>>, vector<16xf32>,
      %mul3A_308 = vector.broadcast %reduce_max3A_303 : f32 to vector<16xf32>
      %mul3A_309 = arith.mulf %get3A_307, %mul3A_308 : vector<16xf32>
      %add3A_310 = arith.addf %add3A_293, %mul3A_309 : vector<16xf32>
      %eq3A_311 = arith.constant 14 : i32
      %eq3A_312 = vector.broadcast %eq3A_311 : i32 to vector<16xi32>
      %eq3A_313 = arith.cmpi eq, %iota3A, %eq3A_312 : vector<16xi32>
      %jit3A_314 = arith.constant 0.000000e+00 : f32
      %broadcast_in_dim3A_315 = vector.broadcast %jit3A_314 : f32 to vector<16xf32>
      %select_n3A_316 = arith.select %eq3A_313, %select_n3A, %broadcast_in_dim3A_315 : vector<16xi1>, vector<16xf32>
      %reduce_max3A_317 = arith.constant true
      %reduce_max3A_318 = vector.broadcast %reduce_max3A_317 : i1 to vector<16xi1>
      %reduce_max3A_319 = tpu.scan <max>, %select_n3A_316 masked %reduce_max3A_318 : vector<16xf32>, vector<16xi1> -> vector<16xf32>
      %reduce_max3A_320 = vector.extract %reduce_max3A_319[15] : f32 from vector<16xf32>
      %get3A_321 = arith.constant 14 : i32
      %get3A_322 = arith.index_cast %get3A_321 : i32 to index
      %get3A_323 = arith.constant 0 : index
      %get3A_324 = tpu.vector_load %arg10[%get3A_322, %get3A_323] {strides = array<i32>} : memref<16x128xf32, #tpu.memory_space<vmem>>, vector<16xf32>,
      %mul3A_325 = vector.broadcast %reduce_max3A_320 : f32 to vector<16xf32>
      %mul3A_326 = arith.mulf %get3A_324, %mul3A_325 : vector<16xf32>
      %add3A_327 = arith.addf %add3A_310, %mul3A_326 : vector<16xf32>
      %eq3A_328 = arith.constant 15 : i32
      %eq3A_329 = vector.broadcast %eq3A_328 : i32 to vector<16xi32>
      %eq3A_330 = arith.cmpi eq, %iota3A, %eq3A_329 : vector<16xi32>
      %jit3A_331 = arith.constant 0.000000e+00 : f32
      %broadcast_in_dim3A_332 = vector.broadcast %jit3A_331 : f32 to vector<16xf32>
      %select_n3A_333 = arith.select %eq3A_330, %select_n3A, %broadcast_in_dim3A_332 : vector<16xi1>, vector<16xf32>
      %reduce_max3A_334 = arith.constant true
      %reduce_max3A_335 = vector.broadcast %reduce_max3A_334 : i1 to vector<16xi1>
      %reduce_max3A_336 = tpu.scan <max>, %select_n3A_333 masked %reduce_max3A_335 : vector<16xf32>, vector<16xi1> -> vector<16xf32>
      %reduce_max3A_337 = vector.extract %reduce_max3A_336[15] : f32 from vector<16xf32>
      %get3A_338 = arith.constant 15 : i32
      %get3A_339 = arith.index_cast %get3A_338 : i32 to index
      %get3A_340 = arith.constant 0 : index
      %get3A_341 = tpu.vector_load %arg10[%get3A_339, %get3A_340] {strides = array<i32>} : memref<16x128xf32, #tpu.memory_space<vmem>>, vector<16xf32>,
      %mul3A_342 = vector.broadcast %reduce_max3A_337 : f32 to vector<16xf32>
      %mul3A_343 = arith.mulf %get3A_341, %mul3A_342 : vector<16xf32>
      %add3A_344 = arith.addf %add3A_327, %mul3A_343 : vector<16xf32>
      %add3A_345 = arith.constant 0 : i32
      %add3A_346 = vector.broadcast %add3A_345 : i32 to vector<16xi32>
      %add3A_347 = arith.addi %add3A_346, %iota3A : vector<16xi32>
      %mul3A_348 = vector.broadcast %select_n3A_71 : f32 to vector<16xf32>
      %mul3A_349 = arith.mulf %add3A_344, %mul3A_348 : vector<16xf32>
      tpu.vector_store_idx %arg11[%broadcast_in_dim3A, %add3A_347], %mul3A_349 : memref<32x64xf32, #tpu.memory_space<vmem>>[vector<16xi32>, vector<16xi32>], vector<16xf32>,
      %broadcast_in_dim3A_350 = arith.constant 0.000000e+00 : f32
      %broadcast_in_dim3A_351 = vector.broadcast %broadcast_in_dim3A_350 : f32 to vector<16xf32>
      %eq3A_352 = arith.constant 0 : i32
      %eq3A_353 = vector.broadcast %eq3A_352 : i32 to vector<16xi32>
      %eq3A_354 = arith.cmpi eq, %iota3A, %eq3A_353 : vector<16xi32>
      %jit3A_355 = arith.constant 0.000000e+00 : f32
      %broadcast_in_dim3A_356 = vector.broadcast %jit3A_355 : f32 to vector<16xf32>
      %select_n3A_357 = arith.select %eq3A_354, %select_n3A, %broadcast_in_dim3A_356 : vector<16xi1>, vector<16xf32>
      %reduce_max3A_358 = arith.constant true
      %reduce_max3A_359 = vector.broadcast %reduce_max3A_358 : i1 to vector<16xi1>
      %reduce_max3A_360 = tpu.scan <max>, %select_n3A_357 masked %reduce_max3A_359 : vector<16xf32>, vector<16xi1> -> vector<16xf32>
      %reduce_max3A_361 = vector.extract %reduce_max3A_360[15] : f32 from vector<16xf32>
      %get3A_362 = arith.constant 0 : i32
      %get3A_363 = arith.index_cast %get3A_362 : i32 to index
      %get3A_364 = arith.constant 16 : index
      %get3A_365 = tpu.vector_load %arg10[%get3A_363, %get3A_364] {strides = array<i32>} : memref<16x128xf32, #tpu.memory_space<vmem>>, vector<16xf32>,
      %mul3A_366 = vector.broadcast %reduce_max3A_361 : f32 to vector<16xf32>
      %mul3A_367 = arith.mulf %get3A_365, %mul3A_366 : vector<16xf32>
      %add3A_368 = arith.addf %broadcast_in_dim3A_351, %mul3A_367 : vector<16xf32>
      %eq3A_369 = arith.constant 1 : i32
      %eq3A_370 = vector.broadcast %eq3A_369 : i32 to vector<16xi32>
      %eq3A_371 = arith.cmpi eq, %iota3A, %eq3A_370 : vector<16xi32>
      %jit3A_372 = arith.constant 0.000000e+00 : f32
      %broadcast_in_dim3A_373 = vector.broadcast %jit3A_372 : f32 to vector<16xf32>
      %select_n3A_374 = arith.select %eq3A_371, %select_n3A, %broadcast_in_dim3A_373 : vector<16xi1>, vector<16xf32>
      %reduce_max3A_375 = arith.constant true
      %reduce_max3A_376 = vector.broadcast %reduce_max3A_375 : i1 to vector<16xi1>
      %reduce_max3A_377 = tpu.scan <max>, %select_n3A_374 masked %reduce_max3A_376 : vector<16xf32>, vector<16xi1> -> vector<16xf32>
      %reduce_max3A_378 = vector.extract %reduce_max3A_377[15] : f32 from vector<16xf32>
      %get3A_379 = arith.constant 1 : i32
      %get3A_380 = arith.index_cast %get3A_379 : i32 to index
      %get3A_381 = arith.constant 16 : index
      %get3A_382 = tpu.vector_load %arg10[%get3A_380, %get3A_381] {strides = array<i32>} : memref<16x128xf32, #tpu.memory_space<vmem>>, vector<16xf32>,
      %mul3A_383 = vector.broadcast %reduce_max3A_378 : f32 to vector<16xf32>
      %mul3A_384 = arith.mulf %get3A_382, %mul3A_383 : vector<16xf32>
      %add3A_385 = arith.addf %add3A_368, %mul3A_384 : vector<16xf32>
      %eq3A_386 = arith.constant 2 : i32
      %eq3A_387 = vector.broadcast %eq3A_386 : i32 to vector<16xi32>
      %eq3A_388 = arith.cmpi eq, %iota3A, %eq3A_387 : vector<16xi32>
      %jit3A_389 = arith.constant 0.000000e+00 : f32
      %broadcast_in_dim3A_390 = vector.broadcast %jit3A_389 : f32 to vector<16xf32>
      %select_n3A_391 = arith.select %eq3A_388, %select_n3A, %broadcast_in_dim3A_390 : vector<16xi1>, vector<16xf32>
      %reduce_max3A_392 = arith.constant true
      %reduce_max3A_393 = vector.broadcast %reduce_max3A_392 : i1 to vector<16xi1>
      %reduce_max3A_394 = tpu.scan <max>, %select_n3A_391 masked %reduce_max3A_393 : vector<16xf32>, vector<16xi1> -> vector<16xf32>
      %reduce_max3A_395 = vector.extract %reduce_max3A_394[15] : f32 from vector<16xf32>
      %get3A_396 = arith.constant 2 : i32
      %get3A_397 = arith.index_cast %get3A_396 : i32 to index
      %get3A_398 = arith.constant 16 : index
      %get3A_399 = tpu.vector_load %arg10[%get3A_397, %get3A_398] {strides = array<i32>} : memref<16x128xf32, #tpu.memory_space<vmem>>, vector<16xf32>,
      %mul3A_400 = vector.broadcast %reduce_max3A_395 : f32 to vector<16xf32>
      %mul3A_401 = arith.mulf %get3A_399, %mul3A_400 : vector<16xf32>
      %add3A_402 = arith.addf %add3A_385, %mul3A_401 : vector<16xf32>
      %eq3A_403 = arith.constant 3 : i32
      %eq3A_404 = vector.broadcast %eq3A_403 : i32 to vector<16xi32>
      %eq3A_405 = arith.cmpi eq, %iota3A, %eq3A_404 : vector<16xi32>
      %jit3A_406 = arith.constant 0.000000e+00 : f32
      %broadcast_in_dim3A_407 = vector.broadcast %jit3A_406 : f32 to vector<16xf32>
      %select_n3A_408 = arith.select %eq3A_405, %select_n3A, %broadcast_in_dim3A_407 : vector<16xi1>, vector<16xf32>
      %reduce_max3A_409 = arith.constant true
      %reduce_max3A_410 = vector.broadcast %reduce_max3A_409 : i1 to vector<16xi1>
      %reduce_max3A_411 = tpu.scan <max>, %select_n3A_408 masked %reduce_max3A_410 : vector<16xf32>, vector<16xi1> -> vector<16xf32>
      %reduce_max3A_412 = vector.extract %reduce_max3A_411[15] : f32 from vector<16xf32>
      %get3A_413 = arith.constant 3 : i32
      %get3A_414 = arith.index_cast %get3A_413 : i32 to index
      %get3A_415 = arith.constant 16 : index
      %get3A_416 = tpu.vector_load %arg10[%get3A_414, %get3A_415] {strides = array<i32>} : memref<16x128xf32, #tpu.memory_space<vmem>>, vector<16xf32>,
      %mul3A_417 = vector.broadcast %reduce_max3A_412 : f32 to vector<16xf32>
      %mul3A_418 = arith.mulf %get3A_416, %mul3A_417 : vector<16xf32>
      %add3A_419 = arith.addf %add3A_402, %mul3A_418 : vector<16xf32>
      %eq3A_420 = arith.constant 4 : i32
      %eq3A_421 = vector.broadcast %eq3A_420 : i32 to vector<16xi32>
      %eq3A_422 = arith.cmpi eq, %iota3A, %eq3A_421 : vector<16xi32>
      %jit3A_423 = arith.constant 0.000000e+00 : f32
      %broadcast_in_dim3A_424 = vector.broadcast %jit3A_423 : f32 to vector<16xf32>
      %select_n3A_425 = arith.select %eq3A_422, %select_n3A, %broadcast_in_dim3A_424 : vector<16xi1>, vector<16xf32>
      %reduce_max3A_426 = arith.constant true
      %reduce_max3A_427 = vector.broadcast %reduce_max3A_426 : i1 to vector<16xi1>
      %reduce_max3A_428 = tpu.scan <max>, %select_n3A_425 masked %reduce_max3A_427 : vector<16xf32>, vector<16xi1> -> vector<16xf32>
      %reduce_max3A_429 = vector.extract %reduce_max3A_428[15] : f32 from vector<16xf32>
      %get3A_430 = arith.constant 4 : i32
      %get3A_431 = arith.index_cast %get3A_430 : i32 to index
      %get3A_432 = arith.constant 16 : index
      %get3A_433 = tpu.vector_load %arg10[%get3A_431, %get3A_432] {strides = array<i32>} : memref<16x128xf32, #tpu.memory_space<vmem>>, vector<16xf32>,
      %mul3A_434 = vector.broadcast %reduce_max3A_429 : f32 to vector<16xf32>
      %mul3A_435 = arith.mulf %get3A_433, %mul3A_434 : vector<16xf32>
      %add3A_436 = arith.addf %add3A_419, %mul3A_435 : vector<16xf32>
      %eq3A_437 = arith.constant 5 : i32
      %eq3A_438 = vector.broadcast %eq3A_437 : i32 to vector<16xi32>
      %eq3A_439 = arith.cmpi eq, %iota3A, %eq3A_438 : vector<16xi32>
      %jit3A_440 = arith.constant 0.000000e+00 : f32
      %broadcast_in_dim3A_441 = vector.broadcast %jit3A_440 : f32 to vector<16xf32>
      %select_n3A_442 = arith.select %eq3A_439, %select_n3A, %broadcast_in_dim3A_441 : vector<16xi1>, vector<16xf32>
      %reduce_max3A_443 = arith.constant true
      %reduce_max3A_444 = vector.broadcast %reduce_max3A_443 : i1 to vector<16xi1>
      %reduce_max3A_445 = tpu.scan <max>, %select_n3A_442 masked %reduce_max3A_444 : vector<16xf32>, vector<16xi1> -> vector<16xf32>
      %reduce_max3A_446 = vector.extract %reduce_max3A_445[15] : f32 from vector<16xf32>
      %get3A_447 = arith.constant 5 : i32
      %get3A_448 = arith.index_cast %get3A_447 : i32 to index
      %get3A_449 = arith.constant 16 : index
      %get3A_450 = tpu.vector_load %arg10[%get3A_448, %get3A_449] {strides = array<i32>} : memref<16x128xf32, #tpu.memory_space<vmem>>, vector<16xf32>,
      %mul3A_451 = vector.broadcast %reduce_max3A_446 : f32 to vector<16xf32>
      %mul3A_452 = arith.mulf %get3A_450, %mul3A_451 : vector<16xf32>
      %add3A_453 = arith.addf %add3A_436, %mul3A_452 : vector<16xf32>
      %eq3A_454 = arith.constant 6 : i32
      %eq3A_455 = vector.broadcast %eq3A_454 : i32 to vector<16xi32>
      %eq3A_456 = arith.cmpi eq, %iota3A, %eq3A_455 : vector<16xi32>
      %jit3A_457 = arith.constant 0.000000e+00 : f32
      %broadcast_in_dim3A_458 = vector.broadcast %jit3A_457 : f32 to vector<16xf32>
      %select_n3A_459 = arith.select %eq3A_456, %select_n3A, %broadcast_in_dim3A_458 : vector<16xi1>, vector<16xf32>
      %reduce_max3A_460 = arith.constant true
      %reduce_max3A_461 = vector.broadcast %reduce_max3A_460 : i1 to vector<16xi1>
      %reduce_max3A_462 = tpu.scan <max>, %select_n3A_459 masked %reduce_max3A_461 : vector<16xf32>, vector<16xi1> -> vector<16xf32>
      %reduce_max3A_463 = vector.extract %reduce_max3A_462[15] : f32 from vector<16xf32>
      %get3A_464 = arith.constant 6 : i32
      %get3A_465 = arith.index_cast %get3A_464 : i32 to index
      %get3A_466 = arith.constant 16 : index
      %get3A_467 = tpu.vector_load %arg10[%get3A_465, %get3A_466] {strides = array<i32>} : memref<16x128xf32, #tpu.memory_space<vmem>>, vector<16xf32>,
      %mul3A_468 = vector.broadcast %reduce_max3A_463 : f32 to vector<16xf32>
      %mul3A_469 = arith.mulf %get3A_467, %mul3A_468 : vector<16xf32>
      %add3A_470 = arith.addf %add3A_453, %mul3A_469 : vector<16xf32>
      %eq3A_471 = arith.constant 7 : i32
      %eq3A_472 = vector.broadcast %eq3A_471 : i32 to vector<16xi32>
      %eq3A_473 = arith.cmpi eq, %iota3A, %eq3A_472 : vector<16xi32>
      %jit3A_474 = arith.constant 0.000000e+00 : f32
      %broadcast_in_dim3A_475 = vector.broadcast %jit3A_474 : f32 to vector<16xf32>
      %select_n3A_476 = arith.select %eq3A_473, %select_n3A, %broadcast_in_dim3A_475 : vector<16xi1>, vector<16xf32>
      %reduce_max3A_477 = arith.constant true
      %reduce_max3A_478 = vector.broadcast %reduce_max3A_477 : i1 to vector<16xi1>
      %reduce_max3A_479 = tpu.scan <max>, %select_n3A_476 masked %reduce_max3A_478 : vector<16xf32>, vector<16xi1> -> vector<16xf32>
      %reduce_max3A_480 = vector.extract %reduce_max3A_479[15] : f32 from vector<16xf32>
      %get3A_481 = arith.constant 7 : i32
      %get3A_482 = arith.index_cast %get3A_481 : i32 to index
      %get3A_483 = arith.constant 16 : index
      %get3A_484 = tpu.vector_load %arg10[%get3A_482, %get3A_483] {strides = array<i32>} : memref<16x128xf32, #tpu.memory_space<vmem>>, vector<16xf32>,
      %mul3A_485 = vector.broadcast %reduce_max3A_480 : f32 to vector<16xf32>
      %mul3A_486 = arith.mulf %get3A_484, %mul3A_485 : vector<16xf32>
      %add3A_487 = arith.addf %add3A_470, %mul3A_486 : vector<16xf32>
      %eq3A_488 = arith.constant 8 : i32
      %eq3A_489 = vector.broadcast %eq3A_488 : i32 to vector<16xi32>
      %eq3A_490 = arith.cmpi eq, %iota3A, %eq3A_489 : vector<16xi32>
      %jit3A_491 = arith.constant 0.000000e+00 : f32
      %broadcast_in_dim3A_492 = vector.broadcast %jit3A_491 : f32 to vector<16xf32>
      %select_n3A_493 = arith.select %eq3A_490, %select_n3A, %broadcast_in_dim3A_492 : vector<16xi1>, vector<16xf32>
      %reduce_max3A_494 = arith.constant true
      %reduce_max3A_495 = vector.broadcast %reduce_max3A_494 : i1 to vector<16xi1>
      %reduce_max3A_496 = tpu.scan <max>, %select_n3A_493 masked %reduce_max3A_495 : vector<16xf32>, vector<16xi1> -> vector<16xf32>
      %reduce_max3A_497 = vector.extract %reduce_max3A_496[15] : f32 from vector<16xf32>
      %get3A_498 = arith.constant 8 : i32
      %get3A_499 = arith.index_cast %get3A_498 : i32 to index
      %get3A_500 = arith.constant 16 : index
      %get3A_501 = tpu.vector_load %arg10[%get3A_499, %get3A_500] {strides = array<i32>} : memref<16x128xf32, #tpu.memory_space<vmem>>, vector<16xf32>,
      %mul3A_502 = vector.broadcast %reduce_max3A_497 : f32 to vector<16xf32>
      %mul3A_503 = arith.mulf %get3A_501, %mul3A_502 : vector<16xf32>
      %add3A_504 = arith.addf %add3A_487, %mul3A_503 : vector<16xf32>
      %eq3A_505 = arith.constant 9 : i32
      %eq3A_506 = vector.broadcast %eq3A_505 : i32 to vector<16xi32>
      %eq3A_507 = arith.cmpi eq, %iota3A, %eq3A_506 : vector<16xi32>
      %jit3A_508 = arith.constant 0.000000e+00 : f32
      %broadcast_in_dim3A_509 = vector.broadcast %jit3A_508 : f32 to vector<16xf32>
      %select_n3A_510 = arith.select %eq3A_507, %select_n3A, %broadcast_in_dim3A_509 : vector<16xi1>, vector<16xf32>
      %reduce_max3A_511 = arith.constant true
      %reduce_max3A_512 = vector.broadcast %reduce_max3A_511 : i1 to vector<16xi1>
      %reduce_max3A_513 = tpu.scan <max>, %select_n3A_510 masked %reduce_max3A_512 : vector<16xf32>, vector<16xi1> -> vector<16xf32>
      %reduce_max3A_514 = vector.extract %reduce_max3A_513[15] : f32 from vector<16xf32>
      %get3A_515 = arith.constant 9 : i32
      %get3A_516 = arith.index_cast %get3A_515 : i32 to index
      %get3A_517 = arith.constant 16 : index
      %get3A_518 = tpu.vector_load %arg10[%get3A_516, %get3A_517] {strides = array<i32>} : memref<16x128xf32, #tpu.memory_space<vmem>>, vector<16xf32>,
      %mul3A_519 = vector.broadcast %reduce_max3A_514 : f32 to vector<16xf32>
      %mul3A_520 = arith.mulf %get3A_518, %mul3A_519 : vector<16xf32>
      %add3A_521 = arith.addf %add3A_504, %mul3A_520 : vector<16xf32>
      %eq3A_522 = arith.constant 10 : i32
      %eq3A_523 = vector.broadcast %eq3A_522 : i32 to vector<16xi32>
      %eq3A_524 = arith.cmpi eq, %iota3A, %eq3A_523 : vector<16xi32>
      %jit3A_525 = arith.constant 0.000000e+00 : f32
      %broadcast_in_dim3A_526 = vector.broadcast %jit3A_525 : f32 to vector<16xf32>
      %select_n3A_527 = arith.select %eq3A_524, %select_n3A, %broadcast_in_dim3A_526 : vector<16xi1>, vector<16xf32>
      %reduce_max3A_528 = arith.constant true
      %reduce_max3A_529 = vector.broadcast %reduce_max3A_528 : i1 to vector<16xi1>
      %reduce_max3A_530 = tpu.scan <max>, %select_n3A_527 masked %reduce_max3A_529 : vector<16xf32>, vector<16xi1> -> vector<16xf32>
      %reduce_max3A_531 = vector.extract %reduce_max3A_530[15] : f32 from vector<16xf32>
      %get3A_532 = arith.constant 10 : i32
      %get3A_533 = arith.index_cast %get3A_532 : i32 to index
      %get3A_534 = arith.constant 16 : index
      %get3A_535 = tpu.vector_load %arg10[%get3A_533, %get3A_534] {strides = array<i32>} : memref<16x128xf32, #tpu.memory_space<vmem>>, vector<16xf32>,
      %mul3A_536 = vector.broadcast %reduce_max3A_531 : f32 to vector<16xf32>
      %mul3A_537 = arith.mulf %get3A_535, %mul3A_536 : vector<16xf32>
      %add3A_538 = arith.addf %add3A_521, %mul3A_537 : vector<16xf32>
      %eq3A_539 = arith.constant 11 : i32
      %eq3A_540 = vector.broadcast %eq3A_539 : i32 to vector<16xi32>
      %eq3A_541 = arith.cmpi eq, %iota3A, %eq3A_540 : vector<16xi32>
      %jit3A_542 = arith.constant 0.000000e+00 : f32
      %broadcast_in_dim3A_543 = vector.broadcast %jit3A_542 : f32 to vector<16xf32>
      %select_n3A_544 = arith.select %eq3A_541, %select_n3A, %broadcast_in_dim3A_543 : vector<16xi1>, vector<16xf32>
      %reduce_max3A_545 = arith.constant true
      %reduce_max3A_546 = vector.broadcast %reduce_max3A_545 : i1 to vector<16xi1>
      %reduce_max3A_547 = tpu.scan <max>, %select_n3A_544 masked %reduce_max3A_546 : vector<16xf32>, vector<16xi1> -> vector<16xf32>
      %reduce_max3A_548 = vector.extract %reduce_max3A_547[15] : f32 from vector<16xf32>
      %get3A_549 = arith.constant 11 : i32
      %get3A_550 = arith.index_cast %get3A_549 : i32 to index
      %get3A_551 = arith.constant 16 : index
      %get3A_552 = tpu.vector_load %arg10[%get3A_550, %get3A_551] {strides = array<i32>} : memref<16x128xf32, #tpu.memory_space<vmem>>, vector<16xf32>,
      %mul3A_553 = vector.broadcast %reduce_max3A_548 : f32 to vector<16xf32>
      %mul3A_554 = arith.mulf %get3A_552, %mul3A_553 : vector<16xf32>
      %add3A_555 = arith.addf %add3A_538, %mul3A_554 : vector<16xf32>
      %eq3A_556 = arith.constant 12 : i32
      %eq3A_557 = vector.broadcast %eq3A_556 : i32 to vector<16xi32>
      %eq3A_558 = arith.cmpi eq, %iota3A, %eq3A_557 : vector<16xi32>
      %jit3A_559 = arith.constant 0.000000e+00 : f32
      %broadcast_in_dim3A_560 = vector.broadcast %jit3A_559 : f32 to vector<16xf32>
      %select_n3A_561 = arith.select %eq3A_558, %select_n3A, %broadcast_in_dim3A_560 : vector<16xi1>, vector<16xf32>
      %reduce_max3A_562 = arith.constant true
      %reduce_max3A_563 = vector.broadcast %reduce_max3A_562 : i1 to vector<16xi1>
      %reduce_max3A_564 = tpu.scan <max>, %select_n3A_561 masked %reduce_max3A_563 : vector<16xf32>, vector<16xi1> -> vector<16xf32>
      %reduce_max3A_565 = vector.extract %reduce_max3A_564[15] : f32 from vector<16xf32>
      %get3A_566 = arith.constant 12 : i32
      %get3A_567 = arith.index_cast %get3A_566 : i32 to index
      %get3A_568 = arith.constant 16 : index
      %get3A_569 = tpu.vector_load %arg10[%get3A_567, %get3A_568] {strides = array<i32>} : memref<16x128xf32, #tpu.memory_space<vmem>>, vector<16xf32>,
      %mul3A_570 = vector.broadcast %reduce_max3A_565 : f32 to vector<16xf32>
      %mul3A_571 = arith.mulf %get3A_569, %mul3A_570 : vector<16xf32>
      %add3A_572 = arith.addf %add3A_555, %mul3A_571 : vector<16xf32>
      %eq3A_573 = arith.constant 13 : i32
      %eq3A_574 = vector.broadcast %eq3A_573 : i32 to vector<16xi32>
      %eq3A_575 = arith.cmpi eq, %iota3A, %eq3A_574 : vector<16xi32>
      %jit3A_576 = arith.constant 0.000000e+00 : f32
      %broadcast_in_dim3A_577 = vector.broadcast %jit3A_576 : f32 to vector<16xf32>
      %select_n3A_578 = arith.select %eq3A_575, %select_n3A, %broadcast_in_dim3A_577 : vector<16xi1>, vector<16xf32>
      %reduce_max3A_579 = arith.constant true
      %reduce_max3A_580 = vector.broadcast %reduce_max3A_579 : i1 to vector<16xi1>
      %reduce_max3A_581 = tpu.scan <max>, %select_n3A_578 masked %reduce_max3A_580 : vector<16xf32>, vector<16xi1> -> vector<16xf32>
      %reduce_max3A_582 = vector.extract %reduce_max3A_581[15] : f32 from vector<16xf32>
      %get3A_583 = arith.constant 13 : i32
      %get3A_584 = arith.index_cast %get3A_583 : i32 to index
      %get3A_585 = arith.constant 16 : index
      %get3A_586 = tpu.vector_load %arg10[%get3A_584, %get3A_585] {strides = array<i32>} : memref<16x128xf32, #tpu.memory_space<vmem>>, vector<16xf32>,
      %mul3A_587 = vector.broadcast %reduce_max3A_582 : f32 to vector<16xf32>
      %mul3A_588 = arith.mulf %get3A_586, %mul3A_587 : vector<16xf32>
      %add3A_589 = arith.addf %add3A_572, %mul3A_588 : vector<16xf32>
      %eq3A_590 = arith.constant 14 : i32
      %eq3A_591 = vector.broadcast %eq3A_590 : i32 to vector<16xi32>
      %eq3A_592 = arith.cmpi eq, %iota3A, %eq3A_591 : vector<16xi32>
      %jit3A_593 = arith.constant 0.000000e+00 : f32
      %broadcast_in_dim3A_594 = vector.broadcast %jit3A_593 : f32 to vector<16xf32>
      %select_n3A_595 = arith.select %eq3A_592, %select_n3A, %broadcast_in_dim3A_594 : vector<16xi1>, vector<16xf32>
      %reduce_max3A_596 = arith.constant true
      %reduce_max3A_597 = vector.broadcast %reduce_max3A_596 : i1 to vector<16xi1>
      %reduce_max3A_598 = tpu.scan <max>, %select_n3A_595 masked %reduce_max3A_597 : vector<16xf32>, vector<16xi1> -> vector<16xf32>
      %reduce_max3A_599 = vector.extract %reduce_max3A_598[15] : f32 from vector<16xf32>
      %get3A_600 = arith.constant 14 : i32
      %get3A_601 = arith.index_cast %get3A_600 : i32 to index
      %get3A_602 = arith.constant 16 : index
      %get3A_603 = tpu.vector_load %arg10[%get3A_601, %get3A_602] {strides = array<i32>} : memref<16x128xf32, #tpu.memory_space<vmem>>, vector<16xf32>,
      %mul3A_604 = vector.broadcast %reduce_max3A_599 : f32 to vector<16xf32>
      %mul3A_605 = arith.mulf %get3A_603, %mul3A_604 : vector<16xf32>
      %add3A_606 = arith.addf %add3A_589, %mul3A_605 : vector<16xf32>
      %eq3A_607 = arith.constant 15 : i32
      %eq3A_608 = vector.broadcast %eq3A_607 : i32 to vector<16xi32>
      %eq3A_609 = arith.cmpi eq, %iota3A, %eq3A_608 : vector<16xi32>
      %jit3A_610 = arith.constant 0.000000e+00 : f32
      %broadcast_in_dim3A_611 = vector.broadcast %jit3A_610 : f32 to vector<16xf32>
      %select_n3A_612 = arith.select %eq3A_609, %select_n3A, %broadcast_in_dim3A_611 : vector<16xi1>, vector<16xf32>
      %reduce_max3A_613 = arith.constant true
      %reduce_max3A_614 = vector.broadcast %reduce_max3A_613 : i1 to vector<16xi1>
      %reduce_max3A_615 = tpu.scan <max>, %select_n3A_612 masked %reduce_max3A_614 : vector<16xf32>, vector<16xi1> -> vector<16xf32>
      %reduce_max3A_616 = vector.extract %reduce_max3A_615[15] : f32 from vector<16xf32>
      %get3A_617 = arith.constant 15 : i32
      %get3A_618 = arith.index_cast %get3A_617 : i32 to index
      %get3A_619 = arith.constant 16 : index
      %get3A_620 = tpu.vector_load %arg10[%get3A_618, %get3A_619] {strides = array<i32>} : memref<16x128xf32, #tpu.memory_space<vmem>>, vector<16xf32>,
      %mul3A_621 = vector.broadcast %reduce_max3A_616 : f32 to vector<16xf32>
      %mul3A_622 = arith.mulf %get3A_620, %mul3A_621 : vector<16xf32>
      %add3A_623 = arith.addf %add3A_606, %mul3A_622 : vector<16xf32>
      %add3A_624 = arith.constant 16 : i32
      %add3A_625 = vector.broadcast %add3A_624 : i32 to vector<16xi32>
      %add3A_626 = arith.addi %add3A_625, %iota3A : vector<16xi32>
      %mul3A_627 = vector.broadcast %select_n3A_71 : f32 to vector<16xf32>
      %mul3A_628 = arith.mulf %add3A_623, %mul3A_627 : vector<16xf32>
      tpu.vector_store_idx %arg11[%broadcast_in_dim3A, %add3A_626], %mul3A_628 : memref<32x64xf32, #tpu.memory_space<vmem>>[vector<16xi32>, vector<16xi32>], vector<16xf32>,
      %broadcast_in_dim3A_629 = arith.constant 0.000000e+00 : f32
      %broadcast_in_dim3A_630 = vector.broadcast %broadcast_in_dim3A_629 : f32 to vector<16xf32>
      %eq3A_631 = arith.constant 0 : i32
      %eq3A_632 = vector.broadcast %eq3A_631 : i32 to vector<16xi32>
      %eq3A_633 = arith.cmpi eq, %iota3A, %eq3A_632 : vector<16xi32>
      %jit3A_634 = arith.constant 0.000000e+00 : f32
      %broadcast_in_dim3A_635 = vector.broadcast %jit3A_634 : f32 to vector<16xf32>
      %select_n3A_636 = arith.select %eq3A_633, %select_n3A, %broadcast_in_dim3A_635 : vector<16xi1>, vector<16xf32>
      %reduce_max3A_637 = arith.constant true
      %reduce_max3A_638 = vector.broadcast %reduce_max3A_637 : i1 to vector<16xi1>
      %reduce_max3A_639 = tpu.scan <max>, %select_n3A_636 masked %reduce_max3A_638 : vector<16xf32>, vector<16xi1> -> vector<16xf32>
      %reduce_max3A_640 = vector.extract %reduce_max3A_639[15] : f32 from vector<16xf32>
      %get3A_641 = arith.constant 0 : i32
      %get3A_642 = arith.index_cast %get3A_641 : i32 to index
      %get3A_643 = arith.constant 32 : index
      %get3A_644 = tpu.vector_load %arg10[%get3A_642, %get3A_643] {strides = array<i32>} : memref<16x128xf32, #tpu.memory_space<vmem>>, vector<16xf32>,
      %mul3A_645 = vector.broadcast %reduce_max3A_640 : f32 to vector<16xf32>
      %mul3A_646 = arith.mulf %get3A_644, %mul3A_645 : vector<16xf32>
      %add3A_647 = arith.addf %broadcast_in_dim3A_630, %mul3A_646 : vector<16xf32>
      %eq3A_648 = arith.constant 1 : i32
      %eq3A_649 = vector.broadcast %eq3A_648 : i32 to vector<16xi32>
      %eq3A_650 = arith.cmpi eq, %iota3A, %eq3A_649 : vector<16xi32>
      %jit3A_651 = arith.constant 0.000000e+00 : f32
      %broadcast_in_dim3A_652 = vector.broadcast %jit3A_651 : f32 to vector<16xf32>
      %select_n3A_653 = arith.select %eq3A_650, %select_n3A, %broadcast_in_dim3A_652 : vector<16xi1>, vector<16xf32>
      %reduce_max3A_654 = arith.constant true
      %reduce_max3A_655 = vector.broadcast %reduce_max3A_654 : i1 to vector<16xi1>
      %reduce_max3A_656 = tpu.scan <max>, %select_n3A_653 masked %reduce_max3A_655 : vector<16xf32>, vector<16xi1> -> vector<16xf32>
      %reduce_max3A_657 = vector.extract %reduce_max3A_656[15] : f32 from vector<16xf32>
      %get3A_658 = arith.constant 1 : i32
      %get3A_659 = arith.index_cast %get3A_658 : i32 to index
      %get3A_660 = arith.constant 32 : index
      %get3A_661 = tpu.vector_load %arg10[%get3A_659, %get3A_660] {strides = array<i32>} : memref<16x128xf32, #tpu.memory_space<vmem>>, vector<16xf32>,
      %mul3A_662 = vector.broadcast %reduce_max3A_657 : f32 to vector<16xf32>
      %mul3A_663 = arith.mulf %get3A_661, %mul3A_662 : vector<16xf32>
      %add3A_664 = arith.addf %add3A_647, %mul3A_663 : vector<16xf32>
      %eq3A_665 = arith.constant 2 : i32
      %eq3A_666 = vector.broadcast %eq3A_665 : i32 to vector<16xi32>
      %eq3A_667 = arith.cmpi eq, %iota3A, %eq3A_666 : vector<16xi32>
      %jit3A_668 = arith.constant 0.000000e+00 : f32
      %broadcast_in_dim3A_669 = vector.broadcast %jit3A_668 : f32 to vector<16xf32>
      %select_n3A_670 = arith.select %eq3A_667, %select_n3A, %broadcast_in_dim3A_669 : vector<16xi1>, vector<16xf32>
      %reduce_max3A_671 = arith.constant true
      %reduce_max3A_672 = vector.broadcast %reduce_max3A_671 : i1 to vector<16xi1>
      %reduce_max3A_673 = tpu.scan <max>, %select_n3A_670 masked %reduce_max3A_672 : vector<16xf32>, vector<16xi1> -> vector<16xf32>
      %reduce_max3A_674 = vector.extract %reduce_max3A_673[15] : f32 from vector<16xf32>
      %get3A_675 = arith.constant 2 : i32
      %get3A_676 = arith.index_cast %get3A_675 : i32 to index
      %get3A_677 = arith.constant 32 : index
      %get3A_678 = tpu.vector_load %arg10[%get3A_676, %get3A_677] {strides = array<i32>} : memref<16x128xf32, #tpu.memory_space<vmem>>, vector<16xf32>,
      %mul3A_679 = vector.broadcast %reduce_max3A_674 : f32 to vector<16xf32>
      %mul3A_680 = arith.mulf %get3A_678, %mul3A_679 : vector<16xf32>
      %add3A_681 = arith.addf %add3A_664, %mul3A_680 : vector<16xf32>
      %eq3A_682 = arith.constant 3 : i32
      %eq3A_683 = vector.broadcast %eq3A_682 : i32 to vector<16xi32>
      %eq3A_684 = arith.cmpi eq, %iota3A, %eq3A_683 : vector<16xi32>
      %jit3A_685 = arith.constant 0.000000e+00 : f32
      %broadcast_in_dim3A_686 = vector.broadcast %jit3A_685 : f32 to vector<16xf32>
      %select_n3A_687 = arith.select %eq3A_684, %select_n3A, %broadcast_in_dim3A_686 : vector<16xi1>, vector<16xf32>
      %reduce_max3A_688 = arith.constant true
      %reduce_max3A_689 = vector.broadcast %reduce_max3A_688 : i1 to vector<16xi1>
      %reduce_max3A_690 = tpu.scan <max>, %select_n3A_687 masked %reduce_max3A_689 : vector<16xf32>, vector<16xi1> -> vector<16xf32>
      %reduce_max3A_691 = vector.extract %reduce_max3A_690[15] : f32 from vector<16xf32>
      %get3A_692 = arith.constant 3 : i32
      %get3A_693 = arith.index_cast %get3A_692 : i32 to index
      %get3A_694 = arith.constant 32 : index
      %get3A_695 = tpu.vector_load %arg10[%get3A_693, %get3A_694] {strides = array<i32>} : memref<16x128xf32, #tpu.memory_space<vmem>>, vector<16xf32>,
      %mul3A_696 = vector.broadcast %reduce_max3A_691 : f32 to vector<16xf32>
      %mul3A_697 = arith.mulf %get3A_695, %mul3A_696 : vector<16xf32>
      %add3A_698 = arith.addf %add3A_681, %mul3A_697 : vector<16xf32>
      %eq3A_699 = arith.constant 4 : i32
      %eq3A_700 = vector.broadcast %eq3A_699 : i32 to vector<16xi32>
      %eq3A_701 = arith.cmpi eq, %iota3A, %eq3A_700 : vector<16xi32>
      %jit3A_702 = arith.constant 0.000000e+00 : f32
      %broadcast_in_dim3A_703 = vector.broadcast %jit3A_702 : f32 to vector<16xf32>
      %select_n3A_704 = arith.select %eq3A_701, %select_n3A, %broadcast_in_dim3A_703 : vector<16xi1>, vector<16xf32>
      %reduce_max3A_705 = arith.constant true
      %reduce_max3A_706 = vector.broadcast %reduce_max3A_705 : i1 to vector<16xi1>
      %reduce_max3A_707 = tpu.scan <max>, %select_n3A_704 masked %reduce_max3A_706 : vector<16xf32>, vector<16xi1> -> vector<16xf32>
      %reduce_max3A_708 = vector.extract %reduce_max3A_707[15] : f32 from vector<16xf32>
      %get3A_709 = arith.constant 4 : i32
      %get3A_710 = arith.index_cast %get3A_709 : i32 to index
      %get3A_711 = arith.constant 32 : index
      %get3A_712 = tpu.vector_load %arg10[%get3A_710, %get3A_711] {strides = array<i32>} : memref<16x128xf32, #tpu.memory_space<vmem>>, vector<16xf32>,
      %mul3A_713 = vector.broadcast %reduce_max3A_708 : f32 to vector<16xf32>
      %mul3A_714 = arith.mulf %get3A_712, %mul3A_713 : vector<16xf32>
      %add3A_715 = arith.addf %add3A_698, %mul3A_714 : vector<16xf32>
      %eq3A_716 = arith.constant 5 : i32
      %eq3A_717 = vector.broadcast %eq3A_716 : i32 to vector<16xi32>
      %eq3A_718 = arith.cmpi eq, %iota3A, %eq3A_717 : vector<16xi32>
      %jit3A_719 = arith.constant 0.000000e+00 : f32
      %broadcast_in_dim3A_720 = vector.broadcast %jit3A_719 : f32 to vector<16xf32>
      %select_n3A_721 = arith.select %eq3A_718, %select_n3A, %broadcast_in_dim3A_720 : vector<16xi1>, vector<16xf32>
      %reduce_max3A_722 = arith.constant true
      %reduce_max3A_723 = vector.broadcast %reduce_max3A_722 : i1 to vector<16xi1>
      %reduce_max3A_724 = tpu.scan <max>, %select_n3A_721 masked %reduce_max3A_723 : vector<16xf32>, vector<16xi1> -> vector<16xf32>
      %reduce_max3A_725 = vector.extract %reduce_max3A_724[15] : f32 from vector<16xf32>
      %get3A_726 = arith.constant 5 : i32
      %get3A_727 = arith.index_cast %get3A_726 : i32 to index
      %get3A_728 = arith.constant 32 : index
      %get3A_729 = tpu.vector_load %arg10[%get3A_727, %get3A_728] {strides = array<i32>} : memref<16x128xf32, #tpu.memory_space<vmem>>, vector<16xf32>,
      %mul3A_730 = vector.broadcast %reduce_max3A_725 : f32 to vector<16xf32>
      %mul3A_731 = arith.mulf %get3A_729, %mul3A_730 : vector<16xf32>
      %add3A_732 = arith.addf %add3A_715, %mul3A_731 : vector<16xf32>
      %eq3A_733 = arith.constant 6 : i32
      %eq3A_734 = vector.broadcast %eq3A_733 : i32 to vector<16xi32>
      %eq3A_735 = arith.cmpi eq, %iota3A, %eq3A_734 : vector<16xi32>
      %jit3A_736 = arith.constant 0.000000e+00 : f32
      %broadcast_in_dim3A_737 = vector.broadcast %jit3A_736 : f32 to vector<16xf32>
      %select_n3A_738 = arith.select %eq3A_735, %select_n3A, %broadcast_in_dim3A_737 : vector<16xi1>, vector<16xf32>
      %reduce_max3A_739 = arith.constant true
      %reduce_max3A_740 = vector.broadcast %reduce_max3A_739 : i1 to vector<16xi1>
      %reduce_max3A_741 = tpu.scan <max>, %select_n3A_738 masked %reduce_max3A_740 : vector<16xf32>, vector<16xi1> -> vector<16xf32>
      %reduce_max3A_742 = vector.extract %reduce_max3A_741[15] : f32 from vector<16xf32>
      %get3A_743 = arith.constant 6 : i32
      %get3A_744 = arith.index_cast %get3A_743 : i32 to index
      %get3A_745 = arith.constant 32 : index
      %get3A_746 = tpu.vector_load %arg10[%get3A_744, %get3A_745] {strides = array<i32>} : memref<16x128xf32, #tpu.memory_space<vmem>>, vector<16xf32>,
      %mul3A_747 = vector.broadcast %reduce_max3A_742 : f32 to vector<16xf32>
      %mul3A_748 = arith.mulf %get3A_746, %mul3A_747 : vector<16xf32>
      %add3A_749 = arith.addf %add3A_732, %mul3A_748 : vector<16xf32>
      %eq3A_750 = arith.constant 7 : i32
      %eq3A_751 = vector.broadcast %eq3A_750 : i32 to vector<16xi32>
      %eq3A_752 = arith.cmpi eq, %iota3A, %eq3A_751 : vector<16xi32>
      %jit3A_753 = arith.constant 0.000000e+00 : f32
      %broadcast_in_dim3A_754 = vector.broadcast %jit3A_753 : f32 to vector<16xf32>
      %select_n3A_755 = arith.select %eq3A_752, %select_n3A, %broadcast_in_dim3A_754 : vector<16xi1>, vector<16xf32>
      %reduce_max3A_756 = arith.constant true
      %reduce_max3A_757 = vector.broadcast %reduce_max3A_756 : i1 to vector<16xi1>
      %reduce_max3A_758 = tpu.scan <max>, %select_n3A_755 masked %reduce_max3A_757 : vector<16xf32>, vector<16xi1> -> vector<16xf32>
      %reduce_max3A_759 = vector.extract %reduce_max3A_758[15] : f32 from vector<16xf32>
      %get3A_760 = arith.constant 7 : i32
      %get3A_761 = arith.index_cast %get3A_760 : i32 to index
      %get3A_762 = arith.constant 32 : index
      %get3A_763 = tpu.vector_load %arg10[%get3A_761, %get3A_762] {strides = array<i32>} : memref<16x128xf32, #tpu.memory_space<vmem>>, vector<16xf32>,
      %mul3A_764 = vector.broadcast %reduce_max3A_759 : f32 to vector<16xf32>
      %mul3A_765 = arith.mulf %get3A_763, %mul3A_764 : vector<16xf32>
      %add3A_766 = arith.addf %add3A_749, %mul3A_765 : vector<16xf32>
      %eq3A_767 = arith.constant 8 : i32
      %eq3A_768 = vector.broadcast %eq3A_767 : i32 to vector<16xi32>
      %eq3A_769 = arith.cmpi eq, %iota3A, %eq3A_768 : vector<16xi32>
      %jit3A_770 = arith.constant 0.000000e+00 : f32
      %broadcast_in_dim3A_771 = vector.broadcast %jit3A_770 : f32 to vector<16xf32>
      %select_n3A_772 = arith.select %eq3A_769, %select_n3A, %broadcast_in_dim3A_771 : vector<16xi1>, vector<16xf32>
      %reduce_max3A_773 = arith.constant true
      %reduce_max3A_774 = vector.broadcast %reduce_max3A_773 : i1 to vector<16xi1>
      %reduce_max3A_775 = tpu.scan <max>, %select_n3A_772 masked %reduce_max3A_774 : vector<16xf32>, vector<16xi1> -> vector<16xf32>
      %reduce_max3A_776 = vector.extract %reduce_max3A_775[15] : f32 from vector<16xf32>
      %get3A_777 = arith.constant 8 : i32
      %get3A_778 = arith.index_cast %get3A_777 : i32 to index
      %get3A_779 = arith.constant 32 : index
      %get3A_780 = tpu.vector_load %arg10[%get3A_778, %get3A_779] {strides = array<i32>} : memref<16x128xf32, #tpu.memory_space<vmem>>, vector<16xf32>,
      %mul3A_781 = vector.broadcast %reduce_max3A_776 : f32 to vector<16xf32>
      %mul3A_782 = arith.mulf %get3A_780, %mul3A_781 : vector<16xf32>
      %add3A_783 = arith.addf %add3A_766, %mul3A_782 : vector<16xf32>
      %eq3A_784 = arith.constant 9 : i32
      %eq3A_785 = vector.broadcast %eq3A_784 : i32 to vector<16xi32>
      %eq3A_786 = arith.cmpi eq, %iota3A, %eq3A_785 : vector<16xi32>
      %jit3A_787 = arith.constant 0.000000e+00 : f32
      %broadcast_in_dim3A_788 = vector.broadcast %jit3A_787 : f32 to vector<16xf32>
      %select_n3A_789 = arith.select %eq3A_786, %select_n3A, %broadcast_in_dim3A_788 : vector<16xi1>, vector<16xf32>
      %reduce_max3A_790 = arith.constant true
      %reduce_max3A_791 = vector.broadcast %reduce_max3A_790 : i1 to vector<16xi1>
      %reduce_max3A_792 = tpu.scan <max>, %select_n3A_789 masked %reduce_max3A_791 : vector<16xf32>, vector<16xi1> -> vector<16xf32>
      %reduce_max3A_793 = vector.extract %reduce_max3A_792[15] : f32 from vector<16xf32>
      %get3A_794 = arith.constant 9 : i32
      %get3A_795 = arith.index_cast %get3A_794 : i32 to index
      %get3A_796 = arith.constant 32 : index
      %get3A_797 = tpu.vector_load %arg10[%get3A_795, %get3A_796] {strides = array<i32>} : memref<16x128xf32, #tpu.memory_space<vmem>>, vector<16xf32>,
      %mul3A_798 = vector.broadcast %reduce_max3A_793 : f32 to vector<16xf32>
      %mul3A_799 = arith.mulf %get3A_797, %mul3A_798 : vector<16xf32>
      %add3A_800 = arith.addf %add3A_783, %mul3A_799 : vector<16xf32>
      %eq3A_801 = arith.constant 10 : i32
      %eq3A_802 = vector.broadcast %eq3A_801 : i32 to vector<16xi32>
      %eq3A_803 = arith.cmpi eq, %iota3A, %eq3A_802 : vector<16xi32>
      %jit3A_804 = arith.constant 0.000000e+00 : f32
      %broadcast_in_dim3A_805 = vector.broadcast %jit3A_804 : f32 to vector<16xf32>
      %select_n3A_806 = arith.select %eq3A_803, %select_n3A, %broadcast_in_dim3A_805 : vector<16xi1>, vector<16xf32>
      %reduce_max3A_807 = arith.constant true
      %reduce_max3A_808 = vector.broadcast %reduce_max3A_807 : i1 to vector<16xi1>
      %reduce_max3A_809 = tpu.scan <max>, %select_n3A_806 masked %reduce_max3A_808 : vector<16xf32>, vector<16xi1> -> vector<16xf32>
      %reduce_max3A_810 = vector.extract %reduce_max3A_809[15] : f32 from vector<16xf32>
      %get3A_811 = arith.constant 10 : i32
      %get3A_812 = arith.index_cast %get3A_811 : i32 to index
      %get3A_813 = arith.constant 32 : index
      %get3A_814 = tpu.vector_load %arg10[%get3A_812, %get3A_813] {strides = array<i32>} : memref<16x128xf32, #tpu.memory_space<vmem>>, vector<16xf32>,
      %mul3A_815 = vector.broadcast %reduce_max3A_810 : f32 to vector<16xf32>
      %mul3A_816 = arith.mulf %get3A_814, %mul3A_815 : vector<16xf32>
      %add3A_817 = arith.addf %add3A_800, %mul3A_816 : vector<16xf32>
      %eq3A_818 = arith.constant 11 : i32
      %eq3A_819 = vector.broadcast %eq3A_818 : i32 to vector<16xi32>
      %eq3A_820 = arith.cmpi eq, %iota3A, %eq3A_819 : vector<16xi32>
      %jit3A_821 = arith.constant 0.000000e+00 : f32
      %broadcast_in_dim3A_822 = vector.broadcast %jit3A_821 : f32 to vector<16xf32>
      %select_n3A_823 = arith.select %eq3A_820, %select_n3A, %broadcast_in_dim3A_822 : vector<16xi1>, vector<16xf32>
      %reduce_max3A_824 = arith.constant true
      %reduce_max3A_825 = vector.broadcast %reduce_max3A_824 : i1 to vector<16xi1>
      %reduce_max3A_826 = tpu.scan <max>, %select_n3A_823 masked %reduce_max3A_825 : vector<16xf32>, vector<16xi1> -> vector<16xf32>
      %reduce_max3A_827 = vector.extract %reduce_max3A_826[15] : f32 from vector<16xf32>
      %get3A_828 = arith.constant 11 : i32
      %get3A_829 = arith.index_cast %get3A_828 : i32 to index
      %get3A_830 = arith.constant 32 : index
      %get3A_831 = tpu.vector_load %arg10[%get3A_829, %get3A_830] {strides = array<i32>} : memref<16x128xf32, #tpu.memory_space<vmem>>, vector<16xf32>,
      %mul3A_832 = vector.broadcast %reduce_max3A_827 : f32 to vector<16xf32>
      %mul3A_833 = arith.mulf %get3A_831, %mul3A_832 : vector<16xf32>
      %add3A_834 = arith.addf %add3A_817, %mul3A_833 : vector<16xf32>
      %eq3A_835 = arith.constant 12 : i32
      %eq3A_836 = vector.broadcast %eq3A_835 : i32 to vector<16xi32>
      %eq3A_837 = arith.cmpi eq, %iota3A, %eq3A_836 : vector<16xi32>
      %jit3A_838 = arith.constant 0.000000e+00 : f32
      %broadcast_in_dim3A_839 = vector.broadcast %jit3A_838 : f32 to vector<16xf32>
      %select_n3A_840 = arith.select %eq3A_837, %select_n3A, %broadcast_in_dim3A_839 : vector<16xi1>, vector<16xf32>
      %reduce_max3A_841 = arith.constant true
      %reduce_max3A_842 = vector.broadcast %reduce_max3A_841 : i1 to vector<16xi1>
      %reduce_max3A_843 = tpu.scan <max>, %select_n3A_840 masked %reduce_max3A_842 : vector<16xf32>, vector<16xi1> -> vector<16xf32>
      %reduce_max3A_844 = vector.extract %reduce_max3A_843[15] : f32 from vector<16xf32>
      %get3A_845 = arith.constant 12 : i32
      %get3A_846 = arith.index_cast %get3A_845 : i32 to index
      %get3A_847 = arith.constant 32 : index
      %get3A_848 = tpu.vector_load %arg10[%get3A_846, %get3A_847] {strides = array<i32>} : memref<16x128xf32, #tpu.memory_space<vmem>>, vector<16xf32>,
      %mul3A_849 = vector.broadcast %reduce_max3A_844 : f32 to vector<16xf32>
      %mul3A_850 = arith.mulf %get3A_848, %mul3A_849 : vector<16xf32>
      %add3A_851 = arith.addf %add3A_834, %mul3A_850 : vector<16xf32>
      %eq3A_852 = arith.constant 13 : i32
      %eq3A_853 = vector.broadcast %eq3A_852 : i32 to vector<16xi32>
      %eq3A_854 = arith.cmpi eq, %iota3A, %eq3A_853 : vector<16xi32>
      %jit3A_855 = arith.constant 0.000000e+00 : f32
      %broadcast_in_dim3A_856 = vector.broadcast %jit3A_855 : f32 to vector<16xf32>
      %select_n3A_857 = arith.select %eq3A_854, %select_n3A, %broadcast_in_dim3A_856 : vector<16xi1>, vector<16xf32>
      %reduce_max3A_858 = arith.constant true
      %reduce_max3A_859 = vector.broadcast %reduce_max3A_858 : i1 to vector<16xi1>
      %reduce_max3A_860 = tpu.scan <max>, %select_n3A_857 masked %reduce_max3A_859 : vector<16xf32>, vector<16xi1> -> vector<16xf32>
      %reduce_max3A_861 = vector.extract %reduce_max3A_860[15] : f32 from vector<16xf32>
      %get3A_862 = arith.constant 13 : i32
      %get3A_863 = arith.index_cast %get3A_862 : i32 to index
      %get3A_864 = arith.constant 32 : index
      %get3A_865 = tpu.vector_load %arg10[%get3A_863, %get3A_864] {strides = array<i32>} : memref<16x128xf32, #tpu.memory_space<vmem>>, vector<16xf32>,
      %mul3A_866 = vector.broadcast %reduce_max3A_861 : f32 to vector<16xf32>
      %mul3A_867 = arith.mulf %get3A_865, %mul3A_866 : vector<16xf32>
      %add3A_868 = arith.addf %add3A_851, %mul3A_867 : vector<16xf32>
      %eq3A_869 = arith.constant 14 : i32
      %eq3A_870 = vector.broadcast %eq3A_869 : i32 to vector<16xi32>
      %eq3A_871 = arith.cmpi eq, %iota3A, %eq3A_870 : vector<16xi32>
      %jit3A_872 = arith.constant 0.000000e+00 : f32
      %broadcast_in_dim3A_873 = vector.broadcast %jit3A_872 : f32 to vector<16xf32>
      %select_n3A_874 = arith.select %eq3A_871, %select_n3A, %broadcast_in_dim3A_873 : vector<16xi1>, vector<16xf32>
      %reduce_max3A_875 = arith.constant true
      %reduce_max3A_876 = vector.broadcast %reduce_max3A_875 : i1 to vector<16xi1>
      %reduce_max3A_877 = tpu.scan <max>, %select_n3A_874 masked %reduce_max3A_876 : vector<16xf32>, vector<16xi1> -> vector<16xf32>
      %reduce_max3A_878 = vector.extract %reduce_max3A_877[15] : f32 from vector<16xf32>
      %get3A_879 = arith.constant 14 : i32
      %get3A_880 = arith.index_cast %get3A_879 : i32 to index
      %get3A_881 = arith.constant 32 : index
      %get3A_882 = tpu.vector_load %arg10[%get3A_880, %get3A_881] {strides = array<i32>} : memref<16x128xf32, #tpu.memory_space<vmem>>, vector<16xf32>,
      %mul3A_883 = vector.broadcast %reduce_max3A_878 : f32 to vector<16xf32>
      %mul3A_884 = arith.mulf %get3A_882, %mul3A_883 : vector<16xf32>
      %add3A_885 = arith.addf %add3A_868, %mul3A_884 : vector<16xf32>
      %eq3A_886 = arith.constant 15 : i32
      %eq3A_887 = vector.broadcast %eq3A_886 : i32 to vector<16xi32>
      %eq3A_888 = arith.cmpi eq, %iota3A, %eq3A_887 : vector<16xi32>
      %jit3A_889 = arith.constant 0.000000e+00 : f32
      %broadcast_in_dim3A_890 = vector.broadcast %jit3A_889 : f32 to vector<16xf32>
      %select_n3A_891 = arith.select %eq3A_888, %select_n3A, %broadcast_in_dim3A_890 : vector<16xi1>, vector<16xf32>
      %reduce_max3A_892 = arith.constant true
      %reduce_max3A_893 = vector.broadcast %reduce_max3A_892 : i1 to vector<16xi1>
      %reduce_max3A_894 = tpu.scan <max>, %select_n3A_891 masked %reduce_max3A_893 : vector<16xf32>, vector<16xi1> -> vector<16xf32>
      %reduce_max3A_895 = vector.extract %reduce_max3A_894[15] : f32 from vector<16xf32>
      %get3A_896 = arith.constant 15 : i32
      %get3A_897 = arith.index_cast %get3A_896 : i32 to index
      %get3A_898 = arith.constant 32 : index
      %get3A_899 = tpu.vector_load %arg10[%get3A_897, %get3A_898] {strides = array<i32>} : memref<16x128xf32, #tpu.memory_space<vmem>>, vector<16xf32>,
      %mul3A_900 = vector.broadcast %reduce_max3A_895 : f32 to vector<16xf32>
      %mul3A_901 = arith.mulf %get3A_899, %mul3A_900 : vector<16xf32>
      %add3A_902 = arith.addf %add3A_885, %mul3A_901 : vector<16xf32>
      %add3A_903 = arith.constant 32 : i32
      %add3A_904 = vector.broadcast %add3A_903 : i32 to vector<16xi32>
      %add3A_905 = arith.addi %add3A_904, %iota3A : vector<16xi32>
      %mul3A_906 = vector.broadcast %select_n3A_71 : f32 to vector<16xf32>
      %mul3A_907 = arith.mulf %add3A_902, %mul3A_906 : vector<16xf32>
      tpu.vector_store_idx %arg11[%broadcast_in_dim3A, %add3A_905], %mul3A_907 : memref<32x64xf32, #tpu.memory_space<vmem>>[vector<16xi32>, vector<16xi32>], vector<16xf32>,
      %broadcast_in_dim3A_908 = arith.constant 0.000000e+00 : f32
      %broadcast_in_dim3A_909 = vector.broadcast %broadcast_in_dim3A_908 : f32 to vector<16xf32>
      %eq3A_910 = arith.constant 0 : i32
      %eq3A_911 = vector.broadcast %eq3A_910 : i32 to vector<16xi32>
      %eq3A_912 = arith.cmpi eq, %iota3A, %eq3A_911 : vector<16xi32>
      %jit3A_913 = arith.constant 0.000000e+00 : f32
      %broadcast_in_dim3A_914 = vector.broadcast %jit3A_913 : f32 to vector<16xf32>
      %select_n3A_915 = arith.select %eq3A_912, %select_n3A, %broadcast_in_dim3A_914 : vector<16xi1>, vector<16xf32>
      %reduce_max3A_916 = arith.constant true
      %reduce_max3A_917 = vector.broadcast %reduce_max3A_916 : i1 to vector<16xi1>
      %reduce_max3A_918 = tpu.scan <max>, %select_n3A_915 masked %reduce_max3A_917 : vector<16xf32>, vector<16xi1> -> vector<16xf32>
      %reduce_max3A_919 = vector.extract %reduce_max3A_918[15] : f32 from vector<16xf32>
      %get3A_920 = arith.constant 0 : i32
      %get3A_921 = arith.index_cast %get3A_920 : i32 to index
      %get3A_922 = arith.constant 48 : index
      %get3A_923 = tpu.vector_load %arg10[%get3A_921, %get3A_922] {strides = array<i32>} : memref<16x128xf32, #tpu.memory_space<vmem>>, vector<16xf32>,
      %mul3A_924 = vector.broadcast %reduce_max3A_919 : f32 to vector<16xf32>
      %mul3A_925 = arith.mulf %get3A_923, %mul3A_924 : vector<16xf32>
      %add3A_926 = arith.addf %broadcast_in_dim3A_909, %mul3A_925 : vector<16xf32>
      %eq3A_927 = arith.constant 1 : i32
      %eq3A_928 = vector.broadcast %eq3A_927 : i32 to vector<16xi32>
      %eq3A_929 = arith.cmpi eq, %iota3A, %eq3A_928 : vector<16xi32>
      %jit3A_930 = arith.constant 0.000000e+00 : f32
      %broadcast_in_dim3A_931 = vector.broadcast %jit3A_930 : f32 to vector<16xf32>
      %select_n3A_932 = arith.select %eq3A_929, %select_n3A, %broadcast_in_dim3A_931 : vector<16xi1>, vector<16xf32>
      %reduce_max3A_933 = arith.constant true
      %reduce_max3A_934 = vector.broadcast %reduce_max3A_933 : i1 to vector<16xi1>
      %reduce_max3A_935 = tpu.scan <max>, %select_n3A_932 masked %reduce_max3A_934 : vector<16xf32>, vector<16xi1> -> vector<16xf32>
      %reduce_max3A_936 = vector.extract %reduce_max3A_935[15] : f32 from vector<16xf32>
      %get3A_937 = arith.constant 1 : i32
      %get3A_938 = arith.index_cast %get3A_937 : i32 to index
      %get3A_939 = arith.constant 48 : index
      %get3A_940 = tpu.vector_load %arg10[%get3A_938, %get3A_939] {strides = array<i32>} : memref<16x128xf32, #tpu.memory_space<vmem>>, vector<16xf32>,
      %mul3A_941 = vector.broadcast %reduce_max3A_936 : f32 to vector<16xf32>
      %mul3A_942 = arith.mulf %get3A_940, %mul3A_941 : vector<16xf32>
      %add3A_943 = arith.addf %add3A_926, %mul3A_942 : vector<16xf32>
      %eq3A_944 = arith.constant 2 : i32
      %eq3A_945 = vector.broadcast %eq3A_944 : i32 to vector<16xi32>
      %eq3A_946 = arith.cmpi eq, %iota3A, %eq3A_945 : vector<16xi32>
      %jit3A_947 = arith.constant 0.000000e+00 : f32
      %broadcast_in_dim3A_948 = vector.broadcast %jit3A_947 : f32 to vector<16xf32>
      %select_n3A_949 = arith.select %eq3A_946, %select_n3A, %broadcast_in_dim3A_948 : vector<16xi1>, vector<16xf32>
      %reduce_max3A_950 = arith.constant true
      %reduce_max3A_951 = vector.broadcast %reduce_max3A_950 : i1 to vector<16xi1>
      %reduce_max3A_952 = tpu.scan <max>, %select_n3A_949 masked %reduce_max3A_951 : vector<16xf32>, vector<16xi1> -> vector<16xf32>
      %reduce_max3A_953 = vector.extract %reduce_max3A_952[15] : f32 from vector<16xf32>
      %get3A_954 = arith.constant 2 : i32
      %get3A_955 = arith.index_cast %get3A_954 : i32 to index
      %get3A_956 = arith.constant 48 : index
      %get3A_957 = tpu.vector_load %arg10[%get3A_955, %get3A_956] {strides = array<i32>} : memref<16x128xf32, #tpu.memory_space<vmem>>, vector<16xf32>,
      %mul3A_958 = vector.broadcast %reduce_max3A_953 : f32 to vector<16xf32>
      %mul3A_959 = arith.mulf %get3A_957, %mul3A_958 : vector<16xf32>
      %add3A_960 = arith.addf %add3A_943, %mul3A_959 : vector<16xf32>
      %eq3A_961 = arith.constant 3 : i32
      %eq3A_962 = vector.broadcast %eq3A_961 : i32 to vector<16xi32>
      %eq3A_963 = arith.cmpi eq, %iota3A, %eq3A_962 : vector<16xi32>
      %jit3A_964 = arith.constant 0.000000e+00 : f32
      %broadcast_in_dim3A_965 = vector.broadcast %jit3A_964 : f32 to vector<16xf32>
      %select_n3A_966 = arith.select %eq3A_963, %select_n3A, %broadcast_in_dim3A_965 : vector<16xi1>, vector<16xf32>
      %reduce_max3A_967 = arith.constant true
      %reduce_max3A_968 = vector.broadcast %reduce_max3A_967 : i1 to vector<16xi1>
      %reduce_max3A_969 = tpu.scan <max>, %select_n3A_966 masked %reduce_max3A_968 : vector<16xf32>, vector<16xi1> -> vector<16xf32>
      %reduce_max3A_970 = vector.extract %reduce_max3A_969[15] : f32 from vector<16xf32>
      %get3A_971 = arith.constant 3 : i32
      %get3A_972 = arith.index_cast %get3A_971 : i32 to index
      %get3A_973 = arith.constant 48 : index
      %get3A_974 = tpu.vector_load %arg10[%get3A_972, %get3A_973] {strides = array<i32>} : memref<16x128xf32, #tpu.memory_space<vmem>>, vector<16xf32>,
      %mul3A_975 = vector.broadcast %reduce_max3A_970 : f32 to vector<16xf32>
      %mul3A_976 = arith.mulf %get3A_974, %mul3A_975 : vector<16xf32>
      %add3A_977 = arith.addf %add3A_960, %mul3A_976 : vector<16xf32>
      %eq3A_978 = arith.constant 4 : i32
      %eq3A_979 = vector.broadcast %eq3A_978 : i32 to vector<16xi32>
      %eq3A_980 = arith.cmpi eq, %iota3A, %eq3A_979 : vector<16xi32>
      %jit3A_981 = arith.constant 0.000000e+00 : f32
      %broadcast_in_dim3A_982 = vector.broadcast %jit3A_981 : f32 to vector<16xf32>
      %select_n3A_983 = arith.select %eq3A_980, %select_n3A, %broadcast_in_dim3A_982 : vector<16xi1>, vector<16xf32>
      %reduce_max3A_984 = arith.constant true
      %reduce_max3A_985 = vector.broadcast %reduce_max3A_984 : i1 to vector<16xi1>
      %reduce_max3A_986 = tpu.scan <max>, %select_n3A_983 masked %reduce_max3A_985 : vector<16xf32>, vector<16xi1> -> vector<16xf32>
      %reduce_max3A_987 = vector.extract %reduce_max3A_986[15] : f32 from vector<16xf32>
      %get3A_988 = arith.constant 4 : i32
      %get3A_989 = arith.index_cast %get3A_988 : i32 to index
      %get3A_990 = arith.constant 48 : index
      %get3A_991 = tpu.vector_load %arg10[%get3A_989, %get3A_990] {strides = array<i32>} : memref<16x128xf32, #tpu.memory_space<vmem>>, vector<16xf32>,
      %mul3A_992 = vector.broadcast %reduce_max3A_987 : f32 to vector<16xf32>
      %mul3A_993 = arith.mulf %get3A_991, %mul3A_992 : vector<16xf32>
      %add3A_994 = arith.addf %add3A_977, %mul3A_993 : vector<16xf32>
      %eq3A_995 = arith.constant 5 : i32
      %eq3A_996 = vector.broadcast %eq3A_995 : i32 to vector<16xi32>
      %eq3A_997 = arith.cmpi eq, %iota3A, %eq3A_996 : vector<16xi32>
      %jit3A_998 = arith.constant 0.000000e+00 : f32
      %broadcast_in_dim3A_999 = vector.broadcast %jit3A_998 : f32 to vector<16xf32>
      %select_n3A_1000 = arith.select %eq3A_997, %select_n3A, %broadcast_in_dim3A_999 : vector<16xi1>, vector<16xf32>
      %reduce_max3A_1001 = arith.constant true
      %reduce_max3A_1002 = vector.broadcast %reduce_max3A_1001 : i1 to vector<16xi1>
      %reduce_max3A_1003 = tpu.scan <max>, %select_n3A_1000 masked %reduce_max3A_1002 : vector<16xf32>, vector<16xi1> -> vector<16xf32>
      %reduce_max3A_1004 = vector.extract %reduce_max3A_1003[15] : f32 from vector<16xf32>
      %get3A_1005 = arith.constant 5 : i32
      %get3A_1006 = arith.index_cast %get3A_1005 : i32 to index
      %get3A_1007 = arith.constant 48 : index
      %get3A_1008 = tpu.vector_load %arg10[%get3A_1006, %get3A_1007] {strides = array<i32>} : memref<16x128xf32, #tpu.memory_space<vmem>>, vector<16xf32>,
      %mul3A_1009 = vector.broadcast %reduce_max3A_1004 : f32 to vector<16xf32>
      %mul3A_1010 = arith.mulf %get3A_1008, %mul3A_1009 : vector<16xf32>
      %add3A_1011 = arith.addf %add3A_994, %mul3A_1010 : vector<16xf32>
      %eq3A_1012 = arith.constant 6 : i32
      %eq3A_1013 = vector.broadcast %eq3A_1012 : i32 to vector<16xi32>
      %eq3A_1014 = arith.cmpi eq, %iota3A, %eq3A_1013 : vector<16xi32>
      %jit3A_1015 = arith.constant 0.000000e+00 : f32
      %broadcast_in_dim3A_1016 = vector.broadcast %jit3A_1015 : f32 to vector<16xf32>
      %select_n3A_1017 = arith.select %eq3A_1014, %select_n3A, %broadcast_in_dim3A_1016 : vector<16xi1>, vector<16xf32>
      %reduce_max3A_1018 = arith.constant true
      %reduce_max3A_1019 = vector.broadcast %reduce_max3A_1018 : i1 to vector<16xi1>
      %reduce_max3A_1020 = tpu.scan <max>, %select_n3A_1017 masked %reduce_max3A_1019 : vector<16xf32>, vector<16xi1> -> vector<16xf32>
      %reduce_max3A_1021 = vector.extract %reduce_max3A_1020[15] : f32 from vector<16xf32>
      %get3A_1022 = arith.constant 6 : i32
      %get3A_1023 = arith.index_cast %get3A_1022 : i32 to index
      %get3A_1024 = arith.constant 48 : index
      %get3A_1025 = tpu.vector_load %arg10[%get3A_1023, %get3A_1024] {strides = array<i32>} : memref<16x128xf32, #tpu.memory_space<vmem>>, vector<16xf32>,
      %mul3A_1026 = vector.broadcast %reduce_max3A_1021 : f32 to vector<16xf32>
      %mul3A_1027 = arith.mulf %get3A_1025, %mul3A_1026 : vector<16xf32>
      %add3A_1028 = arith.addf %add3A_1011, %mul3A_1027 : vector<16xf32>
      %eq3A_1029 = arith.constant 7 : i32
      %eq3A_1030 = vector.broadcast %eq3A_1029 : i32 to vector<16xi32>
      %eq3A_1031 = arith.cmpi eq, %iota3A, %eq3A_1030 : vector<16xi32>
      %jit3A_1032 = arith.constant 0.000000e+00 : f32
      %broadcast_in_dim3A_1033 = vector.broadcast %jit3A_1032 : f32 to vector<16xf32>
      %select_n3A_1034 = arith.select %eq3A_1031, %select_n3A, %broadcast_in_dim3A_1033 : vector<16xi1>, vector<16xf32>
      %reduce_max3A_1035 = arith.constant true
      %reduce_max3A_1036 = vector.broadcast %reduce_max3A_1035 : i1 to vector<16xi1>
      %reduce_max3A_1037 = tpu.scan <max>, %select_n3A_1034 masked %reduce_max3A_1036 : vector<16xf32>, vector<16xi1> -> vector<16xf32>
      %reduce_max3A_1038 = vector.extract %reduce_max3A_1037[15] : f32 from vector<16xf32>
      %get3A_1039 = arith.constant 7 : i32
      %get3A_1040 = arith.index_cast %get3A_1039 : i32 to index
      %get3A_1041 = arith.constant 48 : index
      %get3A_1042 = tpu.vector_load %arg10[%get3A_1040, %get3A_1041] {strides = array<i32>} : memref<16x128xf32, #tpu.memory_space<vmem>>, vector<16xf32>,
      %mul3A_1043 = vector.broadcast %reduce_max3A_1038 : f32 to vector<16xf32>
      %mul3A_1044 = arith.mulf %get3A_1042, %mul3A_1043 : vector<16xf32>
      %add3A_1045 = arith.addf %add3A_1028, %mul3A_1044 : vector<16xf32>
      %eq3A_1046 = arith.constant 8 : i32
      %eq3A_1047 = vector.broadcast %eq3A_1046 : i32 to vector<16xi32>
      %eq3A_1048 = arith.cmpi eq, %iota3A, %eq3A_1047 : vector<16xi32>
      %jit3A_1049 = arith.constant 0.000000e+00 : f32
      %broadcast_in_dim3A_1050 = vector.broadcast %jit3A_1049 : f32 to vector<16xf32>
      %select_n3A_1051 = arith.select %eq3A_1048, %select_n3A, %broadcast_in_dim3A_1050 : vector<16xi1>, vector<16xf32>
      %reduce_max3A_1052 = arith.constant true
      %reduce_max3A_1053 = vector.broadcast %reduce_max3A_1052 : i1 to vector<16xi1>
      %reduce_max3A_1054 = tpu.scan <max>, %select_n3A_1051 masked %reduce_max3A_1053 : vector<16xf32>, vector<16xi1> -> vector<16xf32>
      %reduce_max3A_1055 = vector.extract %reduce_max3A_1054[15] : f32 from vector<16xf32>
      %get3A_1056 = arith.constant 8 : i32
      %get3A_1057 = arith.index_cast %get3A_1056 : i32 to index
      %get3A_1058 = arith.constant 48 : index
      %get3A_1059 = tpu.vector_load %arg10[%get3A_1057, %get3A_1058] {strides = array<i32>} : memref<16x128xf32, #tpu.memory_space<vmem>>, vector<16xf32>,
      %mul3A_1060 = vector.broadcast %reduce_max3A_1055 : f32 to vector<16xf32>
      %mul3A_1061 = arith.mulf %get3A_1059, %mul3A_1060 : vector<16xf32>
      %add3A_1062 = arith.addf %add3A_1045, %mul3A_1061 : vector<16xf32>
      %eq3A_1063 = arith.constant 9 : i32
      %eq3A_1064 = vector.broadcast %eq3A_1063 : i32 to vector<16xi32>
      %eq3A_1065 = arith.cmpi eq, %iota3A, %eq3A_1064 : vector<16xi32>
      %jit3A_1066 = arith.constant 0.000000e+00 : f32
      %broadcast_in_dim3A_1067 = vector.broadcast %jit3A_1066 : f32 to vector<16xf32>
      %select_n3A_1068 = arith.select %eq3A_1065, %select_n3A, %broadcast_in_dim3A_1067 : vector<16xi1>, vector<16xf32>
      %reduce_max3A_1069 = arith.constant true
      %reduce_max3A_1070 = vector.broadcast %reduce_max3A_1069 : i1 to vector<16xi1>
      %reduce_max3A_1071 = tpu.scan <max>, %select_n3A_1068 masked %reduce_max3A_1070 : vector<16xf32>, vector<16xi1> -> vector<16xf32>
      %reduce_max3A_1072 = vector.extract %reduce_max3A_1071[15] : f32 from vector<16xf32>
      %get3A_1073 = arith.constant 9 : i32
      %get3A_1074 = arith.index_cast %get3A_1073 : i32 to index
      %get3A_1075 = arith.constant 48 : index
      %get3A_1076 = tpu.vector_load %arg10[%get3A_1074, %get3A_1075] {strides = array<i32>} : memref<16x128xf32, #tpu.memory_space<vmem>>, vector<16xf32>,
      %mul3A_1077 = vector.broadcast %reduce_max3A_1072 : f32 to vector<16xf32>
      %mul3A_1078 = arith.mulf %get3A_1076, %mul3A_1077 : vector<16xf32>
      %add3A_1079 = arith.addf %add3A_1062, %mul3A_1078 : vector<16xf32>
      %eq3A_1080 = arith.constant 10 : i32
      %eq3A_1081 = vector.broadcast %eq3A_1080 : i32 to vector<16xi32>
      %eq3A_1082 = arith.cmpi eq, %iota3A, %eq3A_1081 : vector<16xi32>
      %jit3A_1083 = arith.constant 0.000000e+00 : f32
      %broadcast_in_dim3A_1084 = vector.broadcast %jit3A_1083 : f32 to vector<16xf32>
      %select_n3A_1085 = arith.select %eq3A_1082, %select_n3A, %broadcast_in_dim3A_1084 : vector<16xi1>, vector<16xf32>
      %reduce_max3A_1086 = arith.constant true
      %reduce_max3A_1087 = vector.broadcast %reduce_max3A_1086 : i1 to vector<16xi1>
      %reduce_max3A_1088 = tpu.scan <max>, %select_n3A_1085 masked %reduce_max3A_1087 : vector<16xf32>, vector<16xi1> -> vector<16xf32>
      %reduce_max3A_1089 = vector.extract %reduce_max3A_1088[15] : f32 from vector<16xf32>
      %get3A_1090 = arith.constant 10 : i32
      %get3A_1091 = arith.index_cast %get3A_1090 : i32 to index
      %get3A_1092 = arith.constant 48 : index
      %get3A_1093 = tpu.vector_load %arg10[%get3A_1091, %get3A_1092] {strides = array<i32>} : memref<16x128xf32, #tpu.memory_space<vmem>>, vector<16xf32>,
      %mul3A_1094 = vector.broadcast %reduce_max3A_1089 : f32 to vector<16xf32>
      %mul3A_1095 = arith.mulf %get3A_1093, %mul3A_1094 : vector<16xf32>
      %add3A_1096 = arith.addf %add3A_1079, %mul3A_1095 : vector<16xf32>
      %eq3A_1097 = arith.constant 11 : i32
      %eq3A_1098 = vector.broadcast %eq3A_1097 : i32 to vector<16xi32>
      %eq3A_1099 = arith.cmpi eq, %iota3A, %eq3A_1098 : vector<16xi32>
      %jit3A_1100 = arith.constant 0.000000e+00 : f32
      %broadcast_in_dim3A_1101 = vector.broadcast %jit3A_1100 : f32 to vector<16xf32>
      %select_n3A_1102 = arith.select %eq3A_1099, %select_n3A, %broadcast_in_dim3A_1101 : vector<16xi1>, vector<16xf32>
      %reduce_max3A_1103 = arith.constant true
      %reduce_max3A_1104 = vector.broadcast %reduce_max3A_1103 : i1 to vector<16xi1>
      %reduce_max3A_1105 = tpu.scan <max>, %select_n3A_1102 masked %reduce_max3A_1104 : vector<16xf32>, vector<16xi1> -> vector<16xf32>
      %reduce_max3A_1106 = vector.extract %reduce_max3A_1105[15] : f32 from vector<16xf32>
      %get3A_1107 = arith.constant 11 : i32
      %get3A_1108 = arith.index_cast %get3A_1107 : i32 to index
      %get3A_1109 = arith.constant 48 : index
      %get3A_1110 = tpu.vector_load %arg10[%get3A_1108, %get3A_1109] {strides = array<i32>} : memref<16x128xf32, #tpu.memory_space<vmem>>, vector<16xf32>,
      %mul3A_1111 = vector.broadcast %reduce_max3A_1106 : f32 to vector<16xf32>
      %mul3A_1112 = arith.mulf %get3A_1110, %mul3A_1111 : vector<16xf32>
      %add3A_1113 = arith.addf %add3A_1096, %mul3A_1112 : vector<16xf32>
      %eq3A_1114 = arith.constant 12 : i32
      %eq3A_1115 = vector.broadcast %eq3A_1114 : i32 to vector<16xi32>
      %eq3A_1116 = arith.cmpi eq, %iota3A, %eq3A_1115 : vector<16xi32>
      %jit3A_1117 = arith.constant 0.000000e+00 : f32
      %broadcast_in_dim3A_1118 = vector.broadcast %jit3A_1117 : f32 to vector<16xf32>
      %select_n3A_1119 = arith.select %eq3A_1116, %select_n3A, %broadcast_in_dim3A_1118 : vector<16xi1>, vector<16xf32>
      %reduce_max3A_1120 = arith.constant true
      %reduce_max3A_1121 = vector.broadcast %reduce_max3A_1120 : i1 to vector<16xi1>
      %reduce_max3A_1122 = tpu.scan <max>, %select_n3A_1119 masked %reduce_max3A_1121 : vector<16xf32>, vector<16xi1> -> vector<16xf32>
      %reduce_max3A_1123 = vector.extract %reduce_max3A_1122[15] : f32 from vector<16xf32>
      %get3A_1124 = arith.constant 12 : i32
      %get3A_1125 = arith.index_cast %get3A_1124 : i32 to index
      %get3A_1126 = arith.constant 48 : index
      %get3A_1127 = tpu.vector_load %arg10[%get3A_1125, %get3A_1126] {strides = array<i32>} : memref<16x128xf32, #tpu.memory_space<vmem>>, vector<16xf32>,
      %mul3A_1128 = vector.broadcast %reduce_max3A_1123 : f32 to vector<16xf32>
      %mul3A_1129 = arith.mulf %get3A_1127, %mul3A_1128 : vector<16xf32>
      %add3A_1130 = arith.addf %add3A_1113, %mul3A_1129 : vector<16xf32>
      %eq3A_1131 = arith.constant 13 : i32
      %eq3A_1132 = vector.broadcast %eq3A_1131 : i32 to vector<16xi32>
      %eq3A_1133 = arith.cmpi eq, %iota3A, %eq3A_1132 : vector<16xi32>
      %jit3A_1134 = arith.constant 0.000000e+00 : f32
      %broadcast_in_dim3A_1135 = vector.broadcast %jit3A_1134 : f32 to vector<16xf32>
      %select_n3A_1136 = arith.select %eq3A_1133, %select_n3A, %broadcast_in_dim3A_1135 : vector<16xi1>, vector<16xf32>
      %reduce_max3A_1137 = arith.constant true
      %reduce_max3A_1138 = vector.broadcast %reduce_max3A_1137 : i1 to vector<16xi1>
      %reduce_max3A_1139 = tpu.scan <max>, %select_n3A_1136 masked %reduce_max3A_1138 : vector<16xf32>, vector<16xi1> -> vector<16xf32>
      %reduce_max3A_1140 = vector.extract %reduce_max3A_1139[15] : f32 from vector<16xf32>
      %get3A_1141 = arith.constant 13 : i32
      %get3A_1142 = arith.index_cast %get3A_1141 : i32 to index
      %get3A_1143 = arith.constant 48 : index
      %get3A_1144 = tpu.vector_load %arg10[%get3A_1142, %get3A_1143] {strides = array<i32>} : memref<16x128xf32, #tpu.memory_space<vmem>>, vector<16xf32>,
      %mul3A_1145 = vector.broadcast %reduce_max3A_1140 : f32 to vector<16xf32>
      %mul3A_1146 = arith.mulf %get3A_1144, %mul3A_1145 : vector<16xf32>
      %add3A_1147 = arith.addf %add3A_1130, %mul3A_1146 : vector<16xf32>
      %eq3A_1148 = arith.constant 14 : i32
      %eq3A_1149 = vector.broadcast %eq3A_1148 : i32 to vector<16xi32>
      %eq3A_1150 = arith.cmpi eq, %iota3A, %eq3A_1149 : vector<16xi32>
      %jit3A_1151 = arith.constant 0.000000e+00 : f32
      %broadcast_in_dim3A_1152 = vector.broadcast %jit3A_1151 : f32 to vector<16xf32>
      %select_n3A_1153 = arith.select %eq3A_1150, %select_n3A, %broadcast_in_dim3A_1152 : vector<16xi1>, vector<16xf32>
      %reduce_max3A_1154 = arith.constant true
      %reduce_max3A_1155 = vector.broadcast %reduce_max3A_1154 : i1 to vector<16xi1>
      %reduce_max3A_1156 = tpu.scan <max>, %select_n3A_1153 masked %reduce_max3A_1155 : vector<16xf32>, vector<16xi1> -> vector<16xf32>
      %reduce_max3A_1157 = vector.extract %reduce_max3A_1156[15] : f32 from vector<16xf32>
      %get3A_1158 = arith.constant 14 : i32
      %get3A_1159 = arith.index_cast %get3A_1158 : i32 to index
      %get3A_1160 = arith.constant 48 : index
      %get3A_1161 = tpu.vector_load %arg10[%get3A_1159, %get3A_1160] {strides = array<i32>} : memref<16x128xf32, #tpu.memory_space<vmem>>, vector<16xf32>,
      %mul3A_1162 = vector.broadcast %reduce_max3A_1157 : f32 to vector<16xf32>
      %mul3A_1163 = arith.mulf %get3A_1161, %mul3A_1162 : vector<16xf32>
      %add3A_1164 = arith.addf %add3A_1147, %mul3A_1163 : vector<16xf32>
      %eq3A_1165 = arith.constant 15 : i32
      %eq3A_1166 = vector.broadcast %eq3A_1165 : i32 to vector<16xi32>
      %eq3A_1167 = arith.cmpi eq, %iota3A, %eq3A_1166 : vector<16xi32>
      %jit3A_1168 = arith.constant 0.000000e+00 : f32
      %broadcast_in_dim3A_1169 = vector.broadcast %jit3A_1168 : f32 to vector<16xf32>
      %select_n3A_1170 = arith.select %eq3A_1167, %select_n3A, %broadcast_in_dim3A_1169 : vector<16xi1>, vector<16xf32>
      %reduce_max3A_1171 = arith.constant true
      %reduce_max3A_1172 = vector.broadcast %reduce_max3A_1171 : i1 to vector<16xi1>
      %reduce_max3A_1173 = tpu.scan <max>, %select_n3A_1170 masked %reduce_max3A_1172 : vector<16xf32>, vector<16xi1> -> vector<16xf32>
      %reduce_max3A_1174 = vector.extract %reduce_max3A_1173[15] : f32 from vector<16xf32>
      %get3A_1175 = arith.constant 15 : i32
      %get3A_1176 = arith.index_cast %get3A_1175 : i32 to index
      %get3A_1177 = arith.constant 48 : index
      %get3A_1178 = tpu.vector_load %arg10[%get3A_1176, %get3A_1177] {strides = array<i32>} : memref<16x128xf32, #tpu.memory_space<vmem>>, vector<16xf32>,
      %mul3A_1179 = vector.broadcast %reduce_max3A_1174 : f32 to vector<16xf32>
      %mul3A_1180 = arith.mulf %get3A_1178, %mul3A_1179 : vector<16xf32>
      %add3A_1181 = arith.addf %add3A_1164, %mul3A_1180 : vector<16xf32>
      %add3A_1182 = arith.constant 48 : i32
      %add3A_1183 = vector.broadcast %add3A_1182 : i32 to vector<16xi32>
      %add3A_1184 = arith.addi %add3A_1183, %iota3A : vector<16xi32>
      %mul3A_1185 = vector.broadcast %select_n3A_71 : f32 to vector<16xf32>
      %mul3A_1186 = arith.mulf %add3A_1181, %mul3A_1185 : vector<16xf32>
      tpu.vector_store_idx %arg11[%broadcast_in_dim3A, %add3A_1184], %mul3A_1186 : memref<32x64xf32, #tpu.memory_space<vmem>>[vector<16xi32>, vector<16xi32>], vector<16xf32>,
    }
    %scan3A_7 = arith.constant 32 : i32
    "tpu.region"() ({
      %run_scoped3A = tpu.sem_alloc : memref<!tpu.dma_semaphore, #tpu.memory_space<semaphore_mem>>
      %dma_start3A = arith.constant 0 : i32
      %dma_start3A_8 = tpu.memref_slice %arg6[%mul3A_2, %dma_start3A] : memref<1024x64xf32, #tpu.memory_space<hbm>> -> memref<32x64xf32, #tpu.memory_space<hbm>>
      %dma_start3A_9 = arith.constant 0 : i32
      %dma_start3A_10 = tpu.memref_slice %arg6[%mul3A_2, %dma_start3A_9] : memref<1024x64xf32, #tpu.memory_space<hbm>> -> memref<32x64xf32, #tpu.memory_space<hbm>>
      tpu.enqueue_dma source(%arg11 : memref<32x64xf32, #tpu.memory_space<vmem>>) target(%dma_start3A_10 : memref<32x64xf32, #tpu.memory_space<hbm>>) target_semaphore(%run_scoped3A : memref<!tpu.dma_semaphore, #tpu.memory_space<semaphore_mem>>)
      %dma_wait3A = arith.constant 0 : i32
      %dma_wait3A_11 = tpu.memref_slice %arg6[%mul3A_2, %dma_wait3A] : memref<1024x64xf32, #tpu.memory_space<hbm>> -> memref<32x64xf32, #tpu.memory_space<hbm>>
      %dma_wait3A_12 = arith.constant 0 : i32
      %dma_wait3A_13 = tpu.memref_slice %arg6[%mul3A_2, %dma_wait3A_12] : memref<1024x64xf32, #tpu.memory_space<hbm>> -> memref<32x64xf32, #tpu.memory_space<hbm>>
      tpu.wait_dma2 semaphore(%run_scoped3A : memref<!tpu.dma_semaphore, #tpu.memory_space<semaphore_mem>>) src(%arg11 : memref<32x64xf32, #tpu.memory_space<vmem>>) dst(%dma_wait3A_13 : memref<32x64xf32, #tpu.memory_space<hbm>>)
      tpu.yield
    }) : () -> ()
    return
  }
}

</mosaic_0001>

<sc_bundles>
// kernel: _s1.3.cloned.1.call-start
scs
__scs_entry_jumppad:
0x0: {  	(pc) =	sbr.rel $0x88, $3  }
0x1: {  	(tag) =	ssettag $0x0;
	lr =	simm.s32 $0x1  }
0x2: {  	[smem:$0x3F9D] =	sst lr;
	_ =	strace $0xD0000000  }
0x3: {  	_ = 	snop  }
0x4: {  	_ = 	snop  }
0x5: {  	_ = 	snop  }
0x6: {  	_ = 	snop  }
0x7: {  	_ = 	snop  }
__scs_overlays_trampoline_lowered:
0x8: {  	[smem:$0x3FAC] =	sst s0  }
0x9: {  	[smem:$0x3FAD] =	sst s1  }
0xa: {  	[smem:$0x3FAE] =	sst s2  }
0xb: {  	[smem:$0x3FAF] =	sst s3  }
0xc: {  	[smem:$0x3FB0] =	sst s4  }
0xd: {  	[smem:$0x3FB1] =	sst s5  }
0xe: {  	[smem:$0x3FB2] =	sst s6  }
0xf: {  	[smem:$0x3FB3] =	sst s7  }
0x10: {  	[smem:$0x3FB4] =	sst s8  }
0x11: {  	[smem:$0x3FB5] =	sst s9;
	s0 =	simm.s32 @!p0 $0x0  }
0x12: {  	s1 =	sld [smem:$0x3F9B];
	s0 =	simm.s32 @p0 $0x1  }
0x13: {  	[smem:$0x3FB6] =	sst s0;
	s0 =	simm.s32 @!p1 $0x0  }
0x14: {  	s2 =	sld [smem:$0x3F9A];
	s0 =	simm.s32 @p1 $0x1  }
0x15: {  	[smem:$0x3FB7] =	sst s0;
	s0 =	simm.s32 @!p2 $0x0  }
0x16: {  	s3 =	sld [smem:$0x3FDB];
	s0 =	simm.s32 @p2 $0x1  }
0x17: {  	s4 =	simm.s32 $0x1BF5;
	[smem:$0x3FB9] =	sst s0  }
0x18: {  	s0 =	sld [smem:$0x3F9C];
	_ =	swait.ge [sflag:s4], $0x0  }
0x19: {  	s7 =	sld [smem:$0x3F9D]  }
0x1a: {  	s8 =	sadd.s32 $0xFFFFE003, lr  }
0x1b: {  	s9 =	sadd.s32 $0xFFFFFEF7, lr;
	s5 =	simm.s32 $0xFFFFFFFF;
	p2 =	slt.u32 s8, $0xFFFFF086  }
0x1c: {  	p1 =	slt.u32 s9, $0xF7A;
	s5 =	simm.s32 @!p2 $0x0  }
0x1d: {  	s5 =	simm.s32 @p1 $0x1;
	p0 =	seq.s32 s7, s2  }
0x1e: {  	s7 =	smul.u32 @!p0 $0xF7A, s2;
	p2 =	seq.s32 @!p0 s5, $0x0  }
0x1f: {  	s9 =	smul.u32 $0xF7A, s1;
	s8 =	simm.s32 @!p0 $0x1BF5;
	p2 =	por !p2, p0  }
0x20: {  	[sflag:s8] =	ssyncset.s32 @!p0 $0xFFFFF086;
	s6 =	sadd.s32 @!p0 s3, s7;
	s7 =	simm.s32 @!p0 $0x108  }
0x21: {  	s3 =	sadd.s32 s3, s9;
	s6 =	sadd.s32 @!p0 $0x88, s6;
	s7 =	simm.s32 @p2 $0x1082  }
0x22: {  	[simem:s7], [sflag:s8] =	dma.local @!p0 [hbm:s6], $0xF7A  }
0x23: {  	s9 =	sor.u32 $0xD0000000, s2;
	s6 =	simm.s32 $0x108;
	_ =	swait.ge @!p0 [sflag:s8], $0x0  }
0x24: {  	s3 =	sadd.s32 $0x88, s3;
	s6 =	simm.s32 @!p1 $0x1082;
	[sflag:s4] =	ssyncset.s32 $0xFFFFF086  }
0x25: {  	[simem:s6], [sflag:s4] =	dma.local [hbm:s3], $0xF7A  }
0x26: {  	[smem:$0x3F9D] =	sst s1;
	(tag) =	ssettag s2;
	_ =	strace s9  }
0x27: {  	s1 =	sld [smem:$0x3FAD]  }
0x28: {  	s2 =	sld [smem:$0x3FAE]  }
0x29: {  	s4 =	sld [smem:$0x3FB0]  }
0x2a: {  	p0 =	seq.s32 s5, $0x0;
	s5 =	sld [smem:$0x3FB1]  }
0x2b: {  	s6 =	sld [smem:$0x3FB2]  }
0x2c: {  	s7 =	sld [smem:$0x3FB3]  }
0x2d: {  	s3 =	simm.s32 $0x108;
	s8 =	sld [smem:$0x3FB4]  }
0x2e: {  	s3 =	simm.s32 @!p0 $0x1082;
	s9 =	sld [smem:$0x3FB5]  }
0x2f: {  	lr =	sadd.s32 s0, s3;
	s0 =	sld [smem:$0x3FAC]  }
0x30: {  	s3 =	sld [smem:$0x3FAF]  }
0x31: {  	[smem:$0x3FB8] =	sst s10  }
0x32: {  	s10 =	sld [smem:$0x3FB6];
	_ =	sdelay $0x3  }
0x33: {  	p0 =	seq.s32 s10, $0x1;
	s10 =	sld [smem:$0x3FB8];
	_ =	sdelay $0x3  }
0x34: {  	[smem:$0x3FB8] =	sst s10  }
0x35: {  	s10 =	sld [smem:$0x3FB7];
	_ =	sdelay $0x3  }
0x36: {  	p1 =	seq.s32 s10, $0x1;
	s10 =	sld [smem:$0x3FB8];
	_ =	sdelay $0x3  }
0x37: {  	[smem:$0x3FB8] =	sst s10  }
0x38: {  	s10 =	sld [smem:$0x3FB9]  }
0x39: {  	_ = 	snop;
	(pc) =	sbr.ind lr, $3  }
0x3a: {  	_ = 	snop  }
0x3b: {  	_ = 	snop  }
0x3c: {  	p2 =	seq.s32 s10, $0x1;
	s10 =	sld [smem:$0x3FB8]  }
0x3d: {  	_ =	shalt  }
0x3e: {  	_ =	shalt  }
0x3f: {  	_ =	shalt  }
0x40: {  	_ =	shalt  }
0x41: {  	_ =	shalt  }
0x42: {  	_ =	shalt  }
0x43: {  	_ =	shalt  }
0x44: {  	_ =	shalt  }
0x45: {  	_ =	shalt  }
0x46: {  	_ =	shalt  }
0x47: {  	_ =	shalt  }
0x48: {  	_ =	shalt  }
0x49: {  	_ =	shalt  }
0x4a: {  	_ =	shalt  }
0x4b: {  	_ =	shalt  }
0x4c: {  	_ =	shalt  }
0x4d: {  	_ =	shalt  }
0x4e: {  	_ =	shalt  }
0x4f: {  	_ =	shalt  }
0x50: {  	_ =	shalt  }
0x51: {  	_ =	shalt  }
0x52: {  	_ =	shalt  }
0x53: {  	_ =	shalt  }
0x54: {  	_ =	shalt  }
0x55: {  	_ =	shalt  }
0x56: {  	_ =	shalt  }
0x57: {  	_ =	shalt  }
0x58: {  	_ =	shalt  }
0x59: {  	_ =	shalt  }
0x5a: {  	_ =	shalt  }
0x5b: {  	_ =	shalt  }
0x5c: {  	_ =	shalt  }
0x5d: {  	_ =	shalt  }
0x5e: {  	_ =	shalt  }
0x5f: {  	_ =	shalt  }
0x60: {  	_ =	shalt  }
0x61: {  	_ =	shalt  }
0x62: {  	_ =	shalt  }
0x63: {  	_ =	shalt  }
0x64: {  	_ =	shalt  }
0x65: {  	_ =	shalt  }
0x66: {  	_ =	shalt  }
0x67: {  	_ =	shalt  }
0x68: {  	_ =	shalt  }
0x69: {  	_ =	shalt  }
0x6a: {  	_ =	shalt  }
0x6b: {  	_ =	shalt  }
0x6c: {  	_ =	shalt  }
0x6d: {  	_ =	shalt  }
0x6e: {  	_ =	shalt  }
0x6f: {  	_ =	shalt  }
0x70: {  	_ =	shalt  }
0x71: {  	_ =	shalt  }
0x72: {  	_ =	shalt  }
0x73: {  	_ =	shalt  }
0x74: {  	_ =	shalt  }
0x75: {  	_ =	shalt  }
0x76: {  	_ =	shalt  }
0x77: {  	_ =	shalt  }
0x78: {  	_ =	shalt  }
0x79: {  	_ =	shalt  }
0x7a: {  	_ =	shalt  }
0x7b: {  	_ =	shalt  }
0x7c: {  	_ =	shalt  }
0x7d: {  	_ =	shalt  }
0x7e: {  	_ =	shalt  }
0x7f: {  	_ =	shalt  }
0x80: {  	_ =	shalt  }
0x81: {  	_ =	shalt  }
0x82: {  	_ =	shalt  }
0x83: {  	_ =	shalt  }
0x84: {  	_ =	shalt  }
0x85: {  	_ =	shalt  }
0x86: {  	_ =	shalt  }
0x87: {  	_ =	shalt  }
.Lfunc_end0:
.L_simem_size_0:
called_computation_lowered:
.L_overlay_start_0:
0x88: {  	s2 =	sld [smem:$0x3FD9]  }
0x89: {  	s3 =	sld [smem:$0x3FFE];
	_ =	sdelay $0x1  }
0x8a: {  	s1 =	srdreg.scid  }
0x8b: {  	s0 =	sand.u32 $0x1, s1  }
0x8c: {  	s17 =	sshll.u32 s0, $0xA;
	s2 =	sadd.s32 s3, s2  }
0x8d: {  	s2 =	sadd.s32 s2, s17  }
0x8e: {  	[smem:$0x3FC4] =	sst s2  }
0x8f: {  	_ = 	snop  }
0x90: {  	s2 =	sld [smem:$0x3FC8]  }
0x91: {  	s18 =	sld [smem:$0x3FC7];
	(tm) =	ssettm $0x1  }
0x92: {  	s4 =	sld [smem:$0x3FFB];
	_ =	sdelay $0x3  }
0x93: {  	_ =	strace s4  }
0x94: {  	s4 =	sld [smem:$0x3FFC];
	_ =	sdelay $0x3  }
0x95: {  	_ =	strace s4  }
0x96: {  	s4 =	sld [smem:$0x3FFD];
	_ =	sdelay $0x3  }
0x97: {  	_ =	strace s4  }
0x98: {  	_ =	strace $0x8FFFFFFF  }
0x99: {  	s19 =	sld [smem:$0x3FDB];
	_ =	sdelay $0x1  }
0x9a: {  	s5 =	simm.s32 $_scs_section_size  }
0x9b: {  	s6 =	simm.s32 $_size__tile_overlayer_lowered;
	s7 =	simm.s32 $_tile_overlayer_lowered  }
0x9c: {  	s22 =	simm.s32 $0x1BFF;
	s21 =	sshll.u32 s7, $0x1;
	s4 =	sadd.s32 s5, s19  }
0x9d: {  	s8 =	simm.s32 $0x0;
	s20 =	sshll.u32 s6, $0x1;
	s6 =	sadd.s32 s21, s4  }
0x9e: {  	[timem:s8], [sflag:s22] =	dma.local [hbm:s6], s20  }
0x9f: {  	_ =	swait.ge [sflag:s22], s20  }
0xa0: {  	s5 =	ssub.s32 $0x0, s20;
	[sflag:s22] =	ssyncset.done $0x0  }
0xa1: {  	[sflag:s22] =	ssyncadd.s32 s5;
	_ =	sdelay $0x1  }
0xa2: {  	s23 =	simm.s32 $0x1B8B  }
0xa3: {  	_ =	swait.ge [sflag:s23], $0x1  }
0xa4: {  	[sflag:s23] =	ssyncset.done $0x0  }
0xa5: {  	s25 =	simm.s32 $0x1B8E;
	s24 =	sld [smem:$0x3FFE];
	[sflag:s23] =	ssyncadd.s32 $0xFFFFFFFF  }
0xa6: {  	s26 =	simm.s32 $execute0_lowered;
	[smem:$0x3FD2] =	sst s25  }
0xa7: {  	s6 =	sshll.u32 s26, $0x1;
	_ =	strace $0x80000046;
	[dreg:$0x1] =	wrdreg $0xFFFFFFFF  }
0xa8: {  	s28 =	simm.s32 $_size_execute0_lowered;
	s4 =	sadd.s32 s4, s6;
	[dreg:$0x0] =	wrdreg $0x0  }
0xa9: {  	s6 =	sshll.u32 s28, $0x1;
	[dreg:$0x2] =	wrdreg s4  }
0xaa: {  	[dreg:$0x3] =	wrdreg s6  }
0xab: {  	[dreg:$0x4] =	wrdreg $0xC0  }
0xac: {  	_ =	task [dreg:s8], $0x5FFFF  }
0xad: {  	[dreg:$0x1] =	wrdreg $0xFFFFFFFF  }
0xae: {  	[dreg:$0x0] =	wrdreg $0x60  }
0xaf: {  	[dreg:$0x2] =	wrdreg s24  }
0xb0: {  	[dreg:$0x3] =	wrdreg s2  }
0xb1: {  	[dreg:$0x4] =	wrdreg s18  }
0xb2: {  	[dreg:$0x5] =	wrdreg $0x9  }
0xb3: {  	_ =	task.clear_ibuf [dreg:s8], $0x6FFFF;
	_ =	strace $0x90000046  }
0xb4: {  	s29 =	simm.s32 $0x9;
	_ =	strace $0x80000048  }
0xb5: {  	_ =	swait.ge [sflag:s29], $0x1  }
0xb6: {  	[sflag:s29] =	ssyncadd.s32 $0xFFFFFFFF  }
0xb7: {  	_ =	strace $0x90000048  }
0xb8: {  	_ =	sfence  }
0xb9: {  	s30 =	sld [smem:$0x0];
	_ =	sdelay $0x2  }
0xba: {  	s31 =	sshll.u32 s1, $0xD;
	s1 =	sshrl.u32 s1, $0x2  }
0xbb: {  	s3 =	sand.u32 $0x4000, s31;
	s1 =	sadd.s32 s1, s30  }
0xbc: {  	s0 =	sor.u32 s3, s0;
	s1 =	sshll.u32 s1, $0x11  }
0xbd: {  	s0 =	sor.u32 s1, s0  }
0xbe: {  	s0 =	sadd.s32 $0x8F2B, s0  }
0xbf: {  	[sflag:s0] =	ssyncadd.remote.s32 $0x1  }
0xc0: {  	_ =	sfence.sel $0xFFFF  }
0xc1: {  	[dreg:$0x0] =	wrdreg $0xFFFFFFFF;
	(pc) =	sbr.abs _section_cstart, $3  }
0xc2: {  	[dreg:$0x1] =	wrdreg $0xFFFFFFFF  }
0xc3: {  	_ =	task.clear_ibuf [dreg:s8], $0x2FFFF;
	_ =	strace $0x9FFFFFFF  }
0xc4: {  	(tm) =	ssettm $0x7FFFFFFF  }
0xc5: {  	_ =	shalt  }
tec
execute0_lowered:
.L_overlay_start_1:
0x0: {  	(tag) =	ssettag $0x1  }
0x1: {  	s5 =	rddreg [dreg:$0x0]  }
0x2: {  	s6 =	rddreg [dreg:$0x1]  }
0x3: {  	s2 =	rddreg [dreg:$0x2]  }
0x4: {  	s3 =	srdreg.scid;
	s0 =	rddreg [dreg:$0x3]  }
0x5: {  	s1 =	stileid.u32;
	s11 =	simm.s32 $0x2080;
	s12 =	simm.s32 $0x1  }
0x6: {  	s13 =	simm.s32 $0x10;
	s14 =	simm.s32 $0x2100;
	s15 =	simm.s32 $0x2  }
0x7: {  	s16 =	simm.s32 $0x2900;
	s17 =	simm.s32 $0x0;
	s4 =	sand.u32 $0x1, s3  }
0x8: {  	vm0 =	vmmov $0xffff;
	v0 =	vlaneseq.u32;
	s3 =	simm.s32 $0x0;
	s7 =	sshll.u32 s1, $0x6;
	s8 =	sshll.u32 s4, $0x5  }
0x9: {  	v1 =	vimm.f32 $0.0e+00;
	vm1 =	vmmov $0x1;
	vm4 =	vcmask $0xB10;
	[smem:$0x7FF] =	sst s3;
	s10 =	ssub.s32 $0x2, s4;
	s4 =	sadd.s32 $0x8400, s5  }
0xa: {  	vm5 =	vcmask $0xF14;
	vm6 =	vcmask $0x1318;
	vm7 =	vcmask $0x171C;
	s7 =	sor.u32 s8, s7;
	_ =	strace $0x80000047;
	s31 =	sshrl.u32 s10, $0x1  }
0xb: {  	vm8 =	vcmask $0x1B20;
	vm9 =	vcmask $0x1F24;
	vm10 =	vcmask $0x2328;
	s8 =	sshll.u32 s7, $0x5;
	s9 =	sshll.u32 s7, $0x4;
	s10 =	ssub.s32 s10, s31  }
0xc: {  	vm11 =	vcmask $0x272C;
	vm12 =	vcmask $0x2B30;
	vm13 =	vcmask $0x2F34;
	s7 =	sshrl.u32 s7, $0x3;
	s8 =	sadd.s32 s8, s5;
	s9 =	sadd.s32 s9, s5  }
0xd: {  	vm14 =	vcmask $0x3338;
	vm15 =	vcmask $0x373C;
	vm2 =	vmmov $0x7fff;
	s6 =	sadd.s32 s6, s7;
	s5 =	sadd.s32 $0x400, s8;
	s7 =	sadd.s32 $0xC400, s9  }
0xe: {  	v2 =	vor.u32 $0x10, v0;
	v3 =	vor.u32 $0x20, v0;
	v4 =	vor.u32 $0x30, v0;
	s8 =	smax.u32 s10, $0x1;
	s9 =	simm.s32 $0x3;
	s10 =	simm.s32 $0x2000  }
.LBB2_1:
0xf: {  	[tilespmem:s3], [sflag:$0x3] =	stream.linear.gather [hbm4b:s5+s3], $0x2000, $0x38;
	[tilespmem:$0x3900] =	vst v63  }
0x10: {  	_ =	swait.ge [sflag:s9], $0x2000  }
0x11: {  	[sflag:s9] =	ssyncset.done $0x0  }
0x12: {  	v5 =	vmov s3;
	[sflag:s9] =	ssyncadd.s32 $0xFFFFE000  }
0x13: {  	[tilespmem:s10], [sflag:$0x3] =	stream.linear.gather [hbm4b:s6+s3], $0x20, $0x38;
	[tilespmem:$0x3900] =	vst v63  }
0x14: {  	_ =	swait.ge [sflag:s9], $0x20  }
0x15: {  	[sflag:s9] =	ssyncset.done $0x0  }
0x16: {  	[sflag:s9] =	ssyncadd.s32 $0xFFFFFFE0  }
0x17: {  	v6 =	vld.idx.msk [tilespmem:v5+s10+$0x0], $0xffff;
	_ =	sdelay $0x4  }
0x18: {  	v6 =	vxor.u32 $0x80000000, v6  }
0x19: {  	(xrf0) =	vmax.scan.msk.u32 $0xffff, v6;
	_ =	sdelay $0x5  }
0x1a: {  	v6, _, _ =	vpop (xrf0)  }
0x1b: {  	(v2sf) =	vpush v6, $0xF;
	_ =	sdelay $0xe  }
0x1c: {  	s18 =	spop (v2sf)  }
0x1d: {  	s19 =	sadd.s32 $0x7FFFFFF6, s18  }
0x1e: {  	p0 =	sgt.s32 s19, $0x0  }
0x1f: {  	s18 =	sxor.u32 $0x80000000, s18;
	s19 =	simm.s32 @!p0 $0x0  }
0x20: {  	s18 =	ssub.s32 s18, s19;
	v6 =	vadd.s32 s19, v0  }
0x21: {  	v8 =	vimm.s32 $0x0;
	v7 =	vmov s18;
	vm3 =	vlt.s32 v6, $0xC7  }
0x22: {  	v8 =	vsel vm3, $0xFFFFFFFF, v8;
	vm3 =	vgt.s32 v7, v0;
	v7 =	vimm.s32 $0x0  }
0x23: {  	[tilespmem:$0x1FFE0] =	vst v8;
	v7 =	vsel vm3, $0xFFFFFFFF, v7  }
0x24: {  	[tilespmem:$0x1FFF0] =	vst v7;
	v7 =	vld [tilespmem:$0x1FFE0];
	_ =	sdelay $0x4  }
0x25: {  	vm3 =	vnez.u8 v7;
	v7 =	vld [tilespmem:$0x1FFF0];
	_ =	sdelay $0x1  }
0x26: {  	v6 =	vnsel vm3, $0xC7, v6  }
0x27: {  	v8 =	vshll.u32 v5, $0x8;
	v9 =	vshll.u32 v6, $0x3  }
0x28: {  	v5 =	vshll.u32 v5, $0x7;
	v8 =	vand.u32 $0x1800, v8;
	v9 =	vand.u32 $0xFFFFFC00, v9  }
0x29: {  	v11 =	vand.u32 $0x380, v5;
	v8 =	vadd.s32 v8, v9;
	vm3 =	vnez.u8 v7  }
0x2a: {  	v6 =	vand.u32 $0x7F, v6;
	v8 =	vor.u32 v11, v8;
	v7 =	vsel vm3, $0x3F800000, v1  }
0x2b: {  	vm3 =	vcmask $0x308;
	v6 =	vor.u32 v6, v8;
	v10 =	vnsel vm1, $0x0, v7  }
0x2c: {  	v12 =	vsel vm3, $0x0, v7;
	vm3 =	vcmask $0x70C;
	(xrf0) =	vmax.scan.msk.f32 $0xffff, v10  }
0x2d: {  	v9 =	vsel vm3, $0x0, v7;
	(xrf0) =	vmax.scan.msk.f32 $0xffff, v12  }
0x2e: {  	v10 =	vsel vm4, $0x0, v7;
	(xrf0) =	vmax.scan.msk.f32 $0xffff, v9  }
0x2f: {  	v8 =	vsel vm5, $0x0, v7;
	(xrf0) =	vmax.scan.msk.f32 $0xffff, v10  }
0x30: {  	v9 =	vsel vm6, $0x0, v7;
	v6 =	vld.idx.msk [tilespmem:v6+s3+$0x0], $0xffff;
	(xrf0) =	vmax.scan.msk.f32 $0xffff, v8  }
0x31: {  	v8 =	vsel vm7, $0x0, v7;
	(xrf0) =	vmax.scan.msk.f32 $0xffff, v9  }
0x32: {  	v9 =	vsel vm8, $0x0, v7;
	(xrf0) =	vmax.scan.msk.f32 $0xffff, v8  }
0x33: {  	v8 =	vsel vm9, $0x0, v7;
	v10, _, _ =	vpop (xrf0);
	(xrf0) =	vmax.scan.msk.f32 $0xffff, v9  }
0x34: {  	v9 =	vsel vm10, $0x0, v7;
	v11, _, _ =	vpop (xrf0);
	(xrf0) =	vmax.scan.msk.f32 $0xffff, v8  }
0x35: {  	v8 =	vsel vm11, $0x0, v7;
	v60, _, _ =	vpop (xrf0);
	(xrf0) =	vmax.scan.msk.f32 $0xffff, v9  }
0x36: {  	v9 =	vsel vm12, $0x0, v7;
	v13, _, _ =	vpop (xrf0);
	(xrf0) =	vmax.scan.msk.f32 $0xffff, v8  }
0x37: {  	v14, _, _ =	vpop (xrf0);
	(xrf0) =	vmax.scan.msk.f32 $0xffff, v9  }
0x38: {  	v8 =	vsel vm13, $0x0, v7;
	v15, _, _ =	vpop (xrf0);
	[tilespmem:s11], [sflag:$0x1] =	stream.indirect_vreg.gather [hbm4b:s2+s3], $0x1, v6, vm0, $0xb8;
	[tilespmem:$0x3900] =	vst v63  }
0x39: {  	v9 =	vsel vm14, $0x0, v7;
	(xrf0) =	vmax.scan.msk.f32 $0xffff, v8;
	v16, _, _ =	vpop (xrf0)  }
0x3a: {  	v8 =	vsel vm15, $0x0, v7;
	(xrf0) =	vmax.scan.msk.f32 $0xffff, v9;
	v17, _, _ =	vpop (xrf0)  }
0x3b: {  	v7 =	vsel vm2, $0x0, v7;
	(xrf0) =	vmax.scan.msk.f32 $0xffff, v8;
	v18, _, _ =	vpop (xrf0)  }
0x3c: {  	v19, _, _ =	vpop (xrf0);
	(xrf0) =	vmax.scan.msk.f32 $0xffff, v7  }
0x3d: {  	_ =	swait.ge [sflag:s12], $0x10  }
0x3e: {  	v20, _, _ =	vpop (xrf0)  }
0x3f: {  	[sflag:s12] =	ssyncset.done $0x0;
	v21, _, _ =	vpop (xrf0)  }
0x40: {  	[sflag:s12] =	ssyncadd.s32 $0xFFFFFFF0;
	v22, _, _ =	vpop (xrf0)  }
0x41: {  	[tilespmem:s14], [sflag:$0x2] =	stream.indirect.gather [hbm4b:s4+s13], $0x80, s11, s13, $0xb8;
	v23, _, _ =	vpop (xrf0);
	[tilespmem:$0x3900] =	vst v63  }
0x42: {  	_ =	swait.ge [sflag:s15], $0x800  }
0x43: {  	[sflag:s15] =	ssyncset.done $0x0  }
0x44: {  	[sflag:s15] =	ssyncadd.s32 $0xFFFFF800  }
0x45: {  	v7 =	vld [tilespmem:$0x2100];
	_ =	sdelay $0x1  }
0x46: {  	v8 =	vld [tilespmem:$0x2180]  }
0x47: {  	v6 =	vbroadcast v10, $0xF  }
0x48: {  	v9 =	vld [tilespmem:$0x2200]  }
0x49: {  	v10 =	vmul.f32 v6, v7;
	v7 =	vbroadcast v11, $0xF  }
0x4a: {  	v11 =	vld [tilespmem:$0x2280]  }
0x4b: {  	v10 =	vadd.f32 $0.0e+00, v10;
	v24 =	vmul.f32 v7, v8;
	v8 =	vbroadcast v60, $0xF  }
0x4c: {  	v61 =	vld [tilespmem:$0x2300]  }
0x4d: {  	v10 =	vadd.f32 v10, v24;
	v62 =	vmul.f32 v8, v9;
	v9 =	vbroadcast v13, $0xF  }
0x4e: {  	v63 =	vld [tilespmem:$0x2380]  }
0x4f: {  	v24 =	vadd.f32 v10, v62;
	v11 =	vmul.f32 v9, v11;
	v10 =	vbroadcast v14, $0xF  }
0x50: {  	v28 =	vld [tilespmem:$0x2400]  }
0x51: {  	v24 =	vadd.f32 v24, v11;
	v12 =	vmul.f32 v10, v61;
	v11 =	vbroadcast v15, $0xF  }
0x52: {  	v29 =	vld [tilespmem:$0x2480]  }
0x53: {  	v24 =	vadd.f32 v24, v12;
	v13 =	vmul.f32 v11, v63;
	v12 =	vbroadcast v16, $0xF  }
0x54: {  	v30 =	vld [tilespmem:$0x2500]  }
0x55: {  	v24 =	vadd.f32 v24, v13;
	v14 =	vmul.f32 v28, v12;
	v13 =	vbroadcast v17, $0xF  }
0x56: {  	v31 =	vld [tilespmem:$0x2580]  }
0x57: {  	v24 =	vadd.f32 v24, v14;
	v15 =	vmul.f32 v29, v13;
	v14 =	vbroadcast v18, $0xF  }
0x58: {  	v32 =	vld [tilespmem:$0x2600]  }
0x59: {  	v24 =	vadd.f32 v24, v15;
	v16 =	vmul.f32 v30, v14;
	v15 =	vbroadcast v19, $0xF  }
0x5a: {  	v33 =	vld [tilespmem:$0x2680]  }
0x5b: {  	v24 =	vadd.f32 v24, v16;
	v17 =	vmul.f32 v31, v15;
	v16 =	vbroadcast v20, $0xF  }
0x5c: {  	v34 =	vld [tilespmem:$0x2700]  }
0x5d: {  	v24 =	vadd.f32 v24, v17;
	v18 =	vmul.f32 v32, v16;
	v17 =	vbroadcast v21, $0xF  }
0x5e: {  	v35 =	vld [tilespmem:$0x2780]  }
0x5f: {  	v24 =	vadd.f32 v24, v18;
	v19 =	vmul.f32 v33, v17;
	v18 =	vbroadcast v22, $0xF  }
0x60: {  	v36 =	vld [tilespmem:$0x2800]  }
0x61: {  	s19 =	simm.f32 $5.000000000e-01;
	p0 =	seq.s32 s18, $0x2;
	v24 =	vadd.f32 v24, v19;
	v20 =	vmul.f32 v34, v18;
	v19 =	vbroadcast v23, $0xF  }
0x62: {  	s19 =	simm.s32 @!p0 $0x3F800000;
	p0 =	seq.s32 s18, $0x3;
	v37, _, _ =	vpop (xrf0);
	v25 =	vld [tilespmem:$0x2880]  }
0x63: {  	s19 =	simm.s32 @p0 $0x3EAAAAAB;
	p0 =	seq.s32 s18, $0x4;
	v24 =	vadd.f32 v24, v20;
	v21 =	vmul.f32 v35, v19;
	v20 =	vbroadcast v37, $0xF  }
0x64: {  	s19 =	simm.s32 @p0 $0x3E800000;
	p0 =	seq.s32 s18, $0x5;
	v38, _, _ =	vpop (xrf0)  }
0x65: {  	s19 =	simm.s32 @p0 $0x3E4CCCCD;
	p0 =	seq.s32 s18, $0x6;
	v24 =	vadd.f32 v24, v21;
	v22 =	vmul.f32 v36, v20;
	v21 =	vbroadcast v38, $0xF  }
0x66: {  	s19 =	simm.s32 @p0 $0x3E2AAAAB;
	p0 =	seq.s32 s18, $0x7  }
0x67: {  	s19 =	simm.s32 @p0 $0x3E124925;
	p0 =	seq.s32 s18, $0x8;
	v22 =	vadd.f32 v24, v22;
	v23 =	vmul.f32 v25, v21  }
0x68: {  	v39 =	vor.u32 v0, v5;
	s19 =	simm.s32 @p0 $0x3E000000;
	p0 =	seq.s32 s18, $0x9  }
0x69: {  	s19 =	simm.s32 @p0 $0x3DE38E39;
	p0 =	seq.s32 s18, $0xA;
	v22 =	vadd.f32 v22, v23  }
0x6a: {  	s19 =	simm.s32 @p0 $0x3DCCCCCD  }
0x6b: {  	v22 =	vmul.f32 s19, v22;
	_ =	sdelay $0x1  }
0x6c: {  	[tilespmem:v39+s16+$0x0] =	vst.idx.msk $0xffff, v22  }
0x6d: {  	v22 =	vld [tilespmem:$0x2110];
	_ =	sdelay $0x1  }
0x6e: {  	v40 =	vld [tilespmem:$0x2190];
	_ =	sdelay $0x1  }
0x6f: {  	v24 =	vld [tilespmem:$0x2210]  }
0x70: {  	v22 =	vmul.f32 v22, v6  }
0x71: {  	v41 =	vld [tilespmem:$0x2290]  }
0x72: {  	v23 =	vmul.f32 v40, v7;
	v22 =	vadd.f32 $0.0e+00, v22  }
0x73: {  	v26 =	vld [tilespmem:$0x2310]  }
0x74: {  	v42 =	vmul.f32 v24, v8;
	v22 =	vadd.f32 v23, v22  }
0x75: {  	v43 =	vld [tilespmem:$0x2390]  }
0x76: {  	v44 =	vmul.f32 v41, v9;
	v22 =	vadd.f32 v42, v22  }
0x77: {  	v45 =	vld [tilespmem:$0x2410]  }
0x78: {  	v46 =	vmul.f32 v26, v10;
	v22 =	vadd.f32 v44, v22  }
0x79: {  	v47 =	vld [tilespmem:$0x2490]  }
0x7a: {  	v48 =	vmul.f32 v43, v11;
	v22 =	vadd.f32 v46, v22  }
0x7b: {  	v49 =	vld [tilespmem:$0x2510]  }
0x7c: {  	v50 =	vmul.f32 v45, v12;
	v22 =	vadd.f32 v48, v22  }
0x7d: {  	v51 =	vld [tilespmem:$0x2590]  }
0x7e: {  	v52 =	vmul.f32 v47, v13;
	v22 =	vadd.f32 v50, v22  }
0x7f: {  	v53 =	vld [tilespmem:$0x2610]  }
0x80: {  	v54 =	vmul.f32 v49, v14;
	v22 =	vadd.f32 v52, v22  }
0x81: {  	v55 =	vld [tilespmem:$0x2690]  }
0x82: {  	v56 =	vmul.f32 v51, v15;
	v22 =	vadd.f32 v54, v22  }
0x83: {  	v57 =	vld [tilespmem:$0x2710]  }
0x84: {  	v58 =	vmul.f32 v53, v16;
	v22 =	vadd.f32 v56, v22  }
0x85: {  	v59 =	vld [tilespmem:$0x2790]  }
0x86: {  	v60 =	vmul.f32 v55, v17;
	v22 =	vadd.f32 v58, v22  }
0x87: {  	v61 =	vld [tilespmem:$0x2810]  }
0x88: {  	v62 =	vmul.f32 v57, v18;
	v22 =	vadd.f32 v60, v22  }
0x89: {  	v63 =	vld [tilespmem:$0x2890]  }
0x8a: {  	v28 =	vmul.f32 v59, v19;
	v22 =	vadd.f32 v62, v22;
	_ =	sdelay $0x1  }
0x8b: {  	v29 =	vmul.f32 v61, v20;
	v22 =	vadd.f32 v28, v22;
	_ =	sdelay $0x1  }
0x8c: {  	v30 =	vmul.f32 v63, v21;
	v22 =	vadd.f32 v29, v22  }
0x8d: {  	v31 =	vor.u32 v2, v5  }
0x8e: {  	v22 =	vadd.f32 v30, v22;
	_ =	sdelay $0x1  }
0x8f: {  	v22 =	vmul.f32 s19, v22;
	_ =	sdelay $0x1  }
0x90: {  	[tilespmem:v31+s16+$0x0] =	vst.idx.msk $0xffff, v22  }
0x91: {  	v22 =	vld [tilespmem:$0x2120];
	_ =	sdelay $0x1  }
0x92: {  	v32 =	vld [tilespmem:$0x21A0];
	_ =	sdelay $0x1  }
0x93: {  	v24 =	vld [tilespmem:$0x2220]  }
0x94: {  	v22 =	vmul.f32 v22, v6  }
0x95: {  	v33 =	vld [tilespmem:$0x22A0]  }
0x96: {  	v23 =	vmul.f32 v32, v7;
	v22 =	vadd.f32 $0.0e+00, v22  }
0x97: {  	v34 =	vld [tilespmem:$0x2320]  }
0x98: {  	v35 =	vmul.f32 v24, v8;
	v22 =	vadd.f32 v23, v22  }
0x99: {  	v36 =	vld [tilespmem:$0x23A0]  }
0x9a: {  	v37 =	vmul.f32 v33, v9;
	v22 =	vadd.f32 v35, v22  }
0x9b: {  	v38 =	vld [tilespmem:$0x2420]  }
0x9c: {  	v39 =	vmul.f32 v34, v10;
	v22 =	vadd.f32 v37, v22  }
0x9d: {  	v40 =	vld [tilespmem:$0x24A0]  }
0x9e: {  	v41 =	vmul.f32 v36, v11;
	v22 =	vadd.f32 v39, v22  }
0x9f: {  	v42 =	vld [tilespmem:$0x2520]  }
0xa0: {  	v43 =	vmul.f32 v38, v12;
	v22 =	vadd.f32 v41, v22  }
0xa1: {  	v44 =	vld [tilespmem:$0x25A0]  }
0xa2: {  	v45 =	vmul.f32 v40, v13;
	v22 =	vadd.f32 v43, v22  }
0xa3: {  	v46 =	vld [tilespmem:$0x2620]  }
0xa4: {  	v47 =	vmul.f32 v42, v14;
	v22 =	vadd.f32 v45, v22  }
0xa5: {  	v48 =	vld [tilespmem:$0x26A0]  }
0xa6: {  	v49 =	vmul.f32 v44, v15;
	v22 =	vadd.f32 v47, v22  }
0xa7: {  	v50 =	vld [tilespmem:$0x2720]  }
0xa8: {  	v51 =	vmul.f32 v46, v16;
	v22 =	vadd.f32 v49, v22  }
0xa9: {  	v52 =	vld [tilespmem:$0x27A0]  }
0xaa: {  	v53 =	vmul.f32 v48, v17;
	v22 =	vadd.f32 v51, v22  }
0xab: {  	v54 =	vld [tilespmem:$0x2820]  }
0xac: {  	v55 =	vmul.f32 v50, v18;
	v22 =	vadd.f32 v53, v22  }
0xad: {  	v56 =	vld [tilespmem:$0x28A0]  }
0xae: {  	v57 =	vmul.f32 v52, v19;
	v22 =	vadd.f32 v55, v22;
	_ =	sdelay $0x1  }
0xaf: {  	v58 =	vmul.f32 v54, v20;
	v22 =	vadd.f32 v57, v22;
	_ =	sdelay $0x1  }
0xb0: {  	v59 =	vmul.f32 v56, v21;
	v22 =	vadd.f32 v58, v22  }
0xb1: {  	v60 =	vor.u32 v3, v5  }
0xb2: {  	v22 =	vadd.f32 v59, v22;
	_ =	sdelay $0x1  }
0xb3: {  	v22 =	vmul.f32 s19, v22;
	_ =	sdelay $0x1  }
0xb4: {  	[tilespmem:v60+s16+$0x0] =	vst.idx.msk $0xffff, v22  }
0xb5: {  	v22 =	vld [tilespmem:$0x2130];
	_ =	sdelay $0x1  }
0xb6: {  	v61 =	vld [tilespmem:$0x21B0];
	_ =	sdelay $0x1  }
0xb7: {  	v24 =	vld [tilespmem:$0x2230]  }
0xb8: {  	v6 =	vmul.f32 v22, v6  }
0xb9: {  	v62 =	vld [tilespmem:$0x22B0]  }
0xba: {  	v7 =	vmul.f32 v61, v7;
	v6 =	vadd.f32 $0.0e+00, v6  }
0xbb: {  	v63 =	vld [tilespmem:$0x2330]  }
0xbc: {  	v6 =	vadd.f32 v7, v6;
	v7 =	vmul.f32 v24, v8  }
0xbd: {  	v8 =	vld [tilespmem:$0x23B0]  }
0xbe: {  	v6 =	vadd.f32 v7, v6;
	v7 =	vmul.f32 v62, v9  }
0xbf: {  	v9 =	vld [tilespmem:$0x2430]  }
0xc0: {  	v6 =	vadd.f32 v7, v6;
	v7 =	vmul.f32 v63, v10  }
0xc1: {  	v10 =	vld [tilespmem:$0x24B0]  }
0xc2: {  	v6 =	vadd.f32 v7, v6;
	v7 =	vmul.f32 v8, v11  }
0xc3: {  	v8 =	vld [tilespmem:$0x2530]  }
0xc4: {  	v6 =	vadd.f32 v7, v6;
	v7 =	vmul.f32 v9, v12  }
0xc5: {  	v9 =	vld [tilespmem:$0x25B0]  }
0xc6: {  	v6 =	vadd.f32 v7, v6;
	v7 =	vmul.f32 v10, v13  }
0xc7: {  	v10 =	vld [tilespmem:$0x2630]  }
0xc8: {  	v6 =	vadd.f32 v7, v6;
	v7 =	vmul.f32 v8, v14  }
0xc9: {  	v8 =	vld [tilespmem:$0x26B0]  }
0xca: {  	v6 =	vadd.f32 v7, v6;
	v7 =	vmul.f32 v9, v15  }
0xcb: {  	v9 =	vld [tilespmem:$0x2730]  }
0xcc: {  	v6 =	vadd.f32 v7, v6;
	v7 =	vmul.f32 v10, v16  }
0xcd: {  	v10 =	vld [tilespmem:$0x27B0]  }
0xce: {  	v6 =	vadd.f32 v7, v6;
	v7 =	vmul.f32 v8, v17  }
0xcf: {  	v8 =	vld [tilespmem:$0x2830]  }
0xd0: {  	v6 =	vadd.f32 v7, v6;
	v7 =	vmul.f32 v9, v18  }
0xd1: {  	v9 =	vld [tilespmem:$0x28B0]  }
0xd2: {  	v6 =	vadd.f32 v7, v6;
	v7 =	vmul.f32 v10, v19;
	_ =	sdelay $0x1  }
0xd3: {  	v6 =	vadd.f32 v7, v6;
	v7 =	vmul.f32 v8, v20;
	_ =	sdelay $0x1  }
0xd4: {  	v6 =	vadd.f32 v7, v6;
	v7 =	vmul.f32 v9, v21  }
0xd5: {  	s31 =	simm.s32 $0x1;
	v8 =	vor.u32 v4, v5  }
0xd6: {  	v9 =	vadd.f32 v7, v6;
	v7 =	vmov s31;
	_ =	sdelay $0x1  }
0xd7: {  	s18 =	simm.s32 $0x2;
	v6 =	vshll.u32 v7, $0x8;
	v5 =	vshll.u32 v7, $0x7;
	v9 =	vmul.f32 s19, v9  }
.LBB2_2:
0xd8: {  	_ = 	snop  }
0xd9: {  	p0 =	sne.s32 s18, $0x1F;
	s19 =	smov.u32 s18;
	s18 =	sadd.s32 $0x1, s18;
	[tilespmem:v8+s16+$0x0] =	vst.idx.msk $0xffff, v9  }
0xda: {  	v7 =	vld.idx.msk [tilespmem:v7+s10+$0x0], $0xffff;
	_ =	sdelay $0x5  }
0xdb: {  	v7 =	vxor.u32 $0x80000000, v7  }
0xdc: {  	(xrf0) =	vmax.scan.msk.u32 $0xffff, v7;
	_ =	sdelay $0x5  }
0xdd: {  	v7, _, _ =	vpop (xrf0)  }
0xde: {  	(v2sf) =	vpush v7, $0xF;
	_ =	sdelay $0xe  }
0xdf: {  	s20 =	spop (v2sf)  }
0xe0: {  	s22 =	sadd.s32 $0x7FFFFFF6, s20  }
0xe1: {  	p1 =	sgt.s32 s22, $0x0  }
0xe2: {  	s22 =	simm.s32 @!p1 $0x0  }
0xe3: {  	s20 =	sxor.u32 $0x80000000, s20;
	v7 =	vadd.s32 s22, v0  }
0xe4: {  	s21 =	ssub.s32 s20, s22;
	vm3 =	vlt.s32 v7, $0xC7  }
0xe5: {  	v6 =	vand.u32 $0x1800, v6;
	s20 =	simm.f32 $5.000000000e-01;
	v8 =	vmov s21;
	p1 =	seq.s32 s21, $0x2;
	v7 =	vnsel vm3, $0xC7, v7  }
0xe6: {  	v9 =	vand.u32 $0x380, v5;
	vm3 =	vgt.s32 v8, v0;
	s20 =	simm.s32 @!p1 $0x3F800000;
	p1 =	seq.s32 s21, $0x3;
	v8 =	vshll.u32 v7, $0x3  }
0xe7: {  	v10 =	vsel vm3, $0x3F800000, v1;
	s20 =	simm.s32 @p1 $0x3EAAAAAB;
	p1 =	seq.s32 s21, $0x4;
	vm3 =	vcmask $0x308;
	v8 =	vand.u32 $0xFFFFFC00, v8  }
0xe8: {  	s20 =	simm.s32 @p1 $0x3E800000;
	p1 =	seq.s32 s21, $0x5;
	v11 =	vnsel vm1, $0x0, v10;
	v12 =	vsel vm3, $0x0, v10;
	vm3 =	vcmask $0x70C  }
0xe9: {  	v13 =	vsel vm4, $0x0, v10;
	v6 =	vadd.s32 v6, v8;
	s20 =	simm.s32 @p1 $0x3E4CCCCD;
	p1 =	seq.s32 s21, $0x6;
	v8 =	vsel vm3, $0x0, v10;
	(xrf0) =	vmax.scan.msk.f32 $0xffff, v11  }
0xea: {  	v7 =	vand.u32 $0x7F, v7;
	v6 =	vor.u32 v9, v6;
	s20 =	simm.s32 @p1 $0x3E2AAAAB;
	p1 =	seq.s32 s21, $0x7;
	v9 =	vsel vm5, $0x0, v10;
	(xrf0) =	vmax.scan.msk.f32 $0xffff, v12  }
0xeb: {  	v11 =	vsel vm7, $0x0, v10;
	v6 =	vor.u32 v7, v6;
	s20 =	simm.s32 @p1 $0x3E124925;
	p1 =	seq.s32 s21, $0x8;
	v7 =	vsel vm6, $0x0, v10;
	(xrf0) =	vmax.scan.msk.f32 $0xffff, v8  }
0xec: {  	v14 =	vsel vm10, $0x0, v10;
	v12 =	vsel vm9, $0x0, v10;
	v8 =	vsel vm8, $0x0, v10;
	s20 =	simm.s32 @p1 $0x3E000000;
	p1 =	seq.s32 s21, $0x9;
	(xrf0) =	vmax.scan.msk.f32 $0xffff, v13  }
0xed: {  	v15 =	vsel vm12, $0x0, v10;
	v16 =	vsel vm13, $0x0, v10;
	v13 =	vsel vm11, $0x0, v10;
	s20 =	simm.s32 @p1 $0x3DE38E39;
	(xrf0) =	vmax.scan.msk.f32 $0xffff, v9  }
0xee: {  	v17 =	vsel vm15, $0x0, v10;
	v9 =	vsel vm14, $0x0, v10;
	v10 =	vsel vm2, $0x0, v10;
	(xrf0) =	vmax.scan.msk.f32 $0xffff, v7  }
0xef: {  	v7, _, _ =	vpop (xrf0);
	(xrf0) =	vmax.scan.msk.f32 $0xffff, v11  }
0xf0: {  	v6 =	vld.idx.msk [tilespmem:v6+s3+$0x0], $0xffff;
	v18, _, _ =	vpop (xrf0);
	(xrf0) =	vmax.scan.msk.f32 $0xffff, v8  }
0xf1: {  	v8, _, _ =	vpop (xrf0);
	(xrf0) =	vmax.scan.msk.f32 $0xffff, v12  }
0xf2: {  	v12, _, _ =	vpop (xrf0);
	(xrf0) =	vmax.scan.msk.f32 $0xffff, v14  }
0xf3: {  	v14, _, _ =	vpop (xrf0);
	(xrf0) =	vmax.scan.msk.f32 $0xffff, v13  }
0xf4: {  	v13, _, _ =	vpop (xrf0);
	(xrf0) =	vmax.scan.msk.f32 $0xffff, v15  }
0xf5: {  	v15, _, _ =	vpop (xrf0);
	(xrf0) =	vmax.scan.msk.f32 $0xffff, v16  }
0xf6: {  	v16, _, _ =	vpop (xrf0);
	(xrf0) =	vmax.scan.msk.f32 $0xffff, v9  }
0xf7: {  	v19, _, _ =	vpop (xrf0);
	(xrf0) =	vmax.scan.msk.f32 $0xffff, v17  }
0xf8: {  	[tilespmem:s11], [sflag:$0x1] =	stream.indirect_vreg.gather [hbm4b:s2+s3], $0x1, v6, vm0, $0xb8;
	[tilespmem:$0x3900] =	vst v63  }
0xf9: {  	v17, _, _ =	vpop (xrf0);
	(xrf0) =	vmax.scan.msk.f32 $0xffff, v10  }
0xfa: {  	_ =	swait.ge [sflag:s12], $0x10  }
0xfb: {  	v20, _, _ =	vpop (xrf0)  }
0xfc: {  	[sflag:s12] =	ssyncset.done $0x0;
	v21, _, _ =	vpop (xrf0)  }
0xfd: {  	[sflag:s12] =	ssyncadd.s32 $0xFFFFFFF0;
	v22, _, _ =	vpop (xrf0)  }
0xfe: {  	[tilespmem:s14], [sflag:$0x2] =	stream.indirect.gather [hbm4b:s4+s13], $0x80, s11, s13, $0xb8;
	v23, _, _ =	vpop (xrf0);
	[tilespmem:$0x3900] =	vst v63  }
0xff: {  	_ =	swait.ge [sflag:s15], $0x800  }
0x100: {  	v24, _, _ =	vpop (xrf0)  }
0x101: {  	[sflag:s15] =	ssyncset.done $0x0;
	v25, _, _ =	vpop (xrf0)  }
0x102: {  	[sflag:s15] =	ssyncadd.s32 $0xFFFFF800  }
0x103: {  	v6 =	vld [tilespmem:$0x2100];
	_ =	sdelay $0x1  }
0x104: {  	v9 =	vld [tilespmem:$0x2180]  }
0x105: {  	v11 =	vbroadcast v7, $0xF  }
0x106: {  	v10 =	vld [tilespmem:$0x2200]  }
0x107: {  	v7 =	vmul.f32 v11, v6;
	v6 =	vbroadcast v18, $0xF  }
0x108: {  	v18 =	vld [tilespmem:$0x2280]  }
0x109: {  	v26 =	vadd.f32 $0.0e+00, v7;
	v9 =	vmul.f32 v6, v9;
	v7 =	vbroadcast v8, $0xF  }
0x10a: {  	v27 =	vld [tilespmem:$0x2300]  }
0x10b: {  	v8 =	vbroadcast v12, $0xF;
	v9 =	vadd.f32 v26, v9;
	v10 =	vmul.f32 v7, v10  }
0x10c: {  	v12 =	vld [tilespmem:$0x2380]  }
0x10d: {  	v10 =	vadd.f32 v9, v10;
	v18 =	vmul.f32 v8, v18;
	v9 =	vbroadcast v14, $0xF  }
0x10e: {  	v14 =	vld [tilespmem:$0x2400]  }
0x10f: {  	v18 =	vadd.f32 v10, v18;
	v26 =	vmul.f32 v9, v27;
	v10 =	vbroadcast v13, $0xF  }
0x110: {  	v27 =	vld [tilespmem:$0x2480]  }
0x111: {  	v13 =	vadd.f32 v18, v26;
	v18 =	vmul.f32 v10, v12;
	v12 =	vbroadcast v15, $0xF  }
0x112: {  	v15 =	vld [tilespmem:$0x2500]  }
0x113: {  	v18 =	vadd.f32 v13, v18;
	v14 =	vmul.f32 v14, v12;
	v13 =	vbroadcast v16, $0xF  }
0x114: {  	v16 =	vld [tilespmem:$0x2580]  }
0x115: {  	v18 =	vadd.f32 v18, v14;
	v26 =	vmul.f32 v27, v13;
	v14 =	vbroadcast v19, $0xF  }
0x116: {  	v19 =	vld [tilespmem:$0x2600]  }
0x117: {  	v18 =	vadd.f32 v18, v26;
	v26 =	vmul.f32 v15, v14;
	v15 =	vbroadcast v17, $0xF  }
0x118: {  	v27 =	vld [tilespmem:$0x2680]  }
0x119: {  	v17 =	vadd.f32 v18, v26;
	v18 =	vmul.f32 v16, v15;
	v16 =	vbroadcast v20, $0xF  }
0x11a: {  	v20 =	vld [tilespmem:$0x2700]  }
0x11b: {  	v18 =	vadd.f32 v17, v18;
	v19 =	vmul.f32 v19, v16;
	v17 =	vbroadcast v21, $0xF  }
0x11c: {  	v21 =	vld [tilespmem:$0x2780]  }
0x11d: {  	v19 =	vadd.f32 v18, v19;
	v26 =	vmul.f32 v27, v17;
	v18 =	vbroadcast v22, $0xF  }
0x11e: {  	v22 =	vld [tilespmem:$0x2800]  }
0x11f: {  	v26 =	vadd.f32 v19, v26;
	v20 =	vmul.f32 v20, v18;
	v19 =	vbroadcast v23, $0xF  }
0x120: {  	v23 =	vld [tilespmem:$0x2880]  }
0x121: {  	v26 =	vadd.f32 v26, v20;
	v21 =	vmul.f32 v21, v19;
	v20 =	vbroadcast v24, $0xF;
	_ =	sdelay $0x1  }
0x122: {  	v24 =	vadd.f32 v26, v21;
	v22 =	vmul.f32 v22, v20;
	v21 =	vbroadcast v25, $0xF;
	_ =	sdelay $0x1  }
0x123: {  	v22 =	vadd.f32 v24, v22;
	v23 =	vmul.f32 v23, v21  }
0x124: {  	v24 =	vor.u32 v0, v5  }
0x125: {  	p1 =	seq.s32 s21, $0xA;
	v22 =	vadd.f32 v22, v23  }
0x126: {  	s20 =	simm.s32 @p1 $0x3DCCCCCD  }
0x127: {  	v22 =	vmul.f32 s20, v22;
	_ =	sdelay $0x1  }
0x128: {  	[tilespmem:v24+s16+$0x0] =	vst.idx.msk $0xffff, v22  }
0x129: {  	v22 =	vld [tilespmem:$0x2110]  }
0x12a: {  	v23 =	vld [tilespmem:$0x2190]  }
0x12b: {  	v24 =	vld [tilespmem:$0x2210]  }
0x12c: {  	v25 =	vld [tilespmem:$0x2290]  }
0x12d: {  	v26 =	vld [tilespmem:$0x2310]  }
0x12e: {  	v22 =	vmul.f32 v22, v11;
	v27 =	vld [tilespmem:$0x2390]  }
0x12f: {  	v28 =	vld [tilespmem:$0x2410]  }
0x130: {  	v23 =	vmul.f32 v23, v6;
	v22 =	vadd.f32 $0.0e+00, v22;
	v29 =	vld [tilespmem:$0x2490]  }
0x131: {  	v30 =	vld [tilespmem:$0x2510]  }
0x132: {  	v22 =	vadd.f32 v23, v22;
	v23 =	vmul.f32 v24, v7;
	v24 =	vld [tilespmem:$0x2590]  }
0x133: {  	v31 =	vld [tilespmem:$0x2610]  }
0x134: {  	v22 =	vadd.f32 v23, v22;
	v23 =	vmul.f32 v25, v8;
	v25 =	vld [tilespmem:$0x2690]  }
0x135: {  	v32 =	vld [tilespmem:$0x2710]  }
0x136: {  	v22 =	vadd.f32 v23, v22;
	v23 =	vmul.f32 v26, v9;
	v26 =	vld [tilespmem:$0x2790]  }
0x137: {  	v33 =	vld [tilespmem:$0x2810]  }
0x138: {  	v22 =	vadd.f32 v23, v22;
	v23 =	vmul.f32 v27, v10;
	v27 =	vld [tilespmem:$0x2890];
	_ =	sdelay $0x1  }
0x139: {  	v22 =	vadd.f32 v23, v22;
	v23 =	vmul.f32 v28, v12;
	_ =	sdelay $0x1  }
0x13a: {  	v22 =	vadd.f32 v23, v22;
	v23 =	vmul.f32 v29, v13;
	_ =	sdelay $0x1  }
0x13b: {  	v22 =	vadd.f32 v23, v22;
	v23 =	vmul.f32 v30, v14;
	_ =	sdelay $0x1  }
0x13c: {  	v22 =	vadd.f32 v23, v22;
	v23 =	vmul.f32 v24, v15;
	_ =	sdelay $0x1  }
0x13d: {  	v22 =	vadd.f32 v23, v22;
	v23 =	vmul.f32 v31, v16;
	_ =	sdelay $0x1  }
0x13e: {  	v22 =	vadd.f32 v23, v22;
	v23 =	vmul.f32 v25, v17;
	_ =	sdelay $0x1  }
0x13f: {  	v22 =	vadd.f32 v23, v22;
	v23 =	vmul.f32 v32, v18;
	_ =	sdelay $0x1  }
0x140: {  	v22 =	vadd.f32 v23, v22;
	v23 =	vmul.f32 v26, v19;
	_ =	sdelay $0x1  }
0x141: {  	v22 =	vadd.f32 v23, v22;
	v23 =	vmul.f32 v33, v20;
	_ =	sdelay $0x1  }
0x142: {  	v22 =	vadd.f32 v23, v22;
	v23 =	vmul.f32 v27, v21  }
0x143: {  	v24 =	vor.u32 v2, v5  }
0x144: {  	v22 =	vadd.f32 v23, v22;
	_ =	sdelay $0x1  }
0x145: {  	v22 =	vmul.f32 s20, v22;
	_ =	sdelay $0x1  }
0x146: {  	[tilespmem:v24+s16+$0x0] =	vst.idx.msk $0xffff, v22  }
0x147: {  	v22 =	vld [tilespmem:$0x2120]  }
0x148: {  	v23 =	vld [tilespmem:$0x21A0]  }
0x149: {  	v24 =	vld [tilespmem:$0x2220]  }
0x14a: {  	v25 =	vld [tilespmem:$0x22A0]  }
0x14b: {  	v26 =	vld [tilespmem:$0x2320]  }
0x14c: {  	v22 =	vmul.f32 v22, v11;
	v27 =	vld [tilespmem:$0x23A0]  }
0x14d: {  	v28 =	vld [tilespmem:$0x2420]  }
0x14e: {  	v23 =	vmul.f32 v23, v6;
	v22 =	vadd.f32 $0.0e+00, v22;
	v29 =	vld [tilespmem:$0x24A0]  }
0x14f: {  	v30 =	vld [tilespmem:$0x2520]  }
0x150: {  	v22 =	vadd.f32 v23, v22;
	v23 =	vmul.f32 v24, v7;
	v24 =	vld [tilespmem:$0x25A0]  }
0x151: {  	v31 =	vld [tilespmem:$0x2620]  }
0x152: {  	v22 =	vadd.f32 v23, v22;
	v23 =	vmul.f32 v25, v8;
	v25 =	vld [tilespmem:$0x26A0]  }
0x153: {  	v32 =	vld [tilespmem:$0x2720]  }
0x154: {  	v22 =	vadd.f32 v23, v22;
	v23 =	vmul.f32 v26, v9;
	v26 =	vld [tilespmem:$0x27A0]  }
0x155: {  	v33 =	vld [tilespmem:$0x2820]  }
0x156: {  	v22 =	vadd.f32 v23, v22;
	v23 =	vmul.f32 v27, v10;
	v27 =	vld [tilespmem:$0x28A0];
	_ =	sdelay $0x1  }
0x157: {  	v22 =	vadd.f32 v23, v22;
	v23 =	vmul.f32 v28, v12;
	_ =	sdelay $0x1  }
0x158: {  	v22 =	vadd.f32 v23, v22;
	v23 =	vmul.f32 v29, v13;
	_ =	sdelay $0x1  }
0x159: {  	v22 =	vadd.f32 v23, v22;
	v23 =	vmul.f32 v30, v14;
	_ =	sdelay $0x1  }
0x15a: {  	v22 =	vadd.f32 v23, v22;
	v23 =	vmul.f32 v24, v15;
	_ =	sdelay $0x1  }
0x15b: {  	v22 =	vadd.f32 v23, v22;
	v23 =	vmul.f32 v31, v16;
	_ =	sdelay $0x1  }
0x15c: {  	v22 =	vadd.f32 v23, v22;
	v23 =	vmul.f32 v25, v17;
	_ =	sdelay $0x1  }
0x15d: {  	v22 =	vadd.f32 v23, v22;
	v23 =	vmul.f32 v32, v18;
	_ =	sdelay $0x1  }
0x15e: {  	v22 =	vadd.f32 v23, v22;
	v23 =	vmul.f32 v26, v19;
	_ =	sdelay $0x1  }
0x15f: {  	v22 =	vadd.f32 v23, v22;
	v23 =	vmul.f32 v33, v20;
	_ =	sdelay $0x1  }
0x160: {  	v22 =	vadd.f32 v23, v22;
	v23 =	vmul.f32 v27, v21  }
0x161: {  	v24 =	vor.u32 v3, v5  }
0x162: {  	v22 =	vadd.f32 v23, v22;
	_ =	sdelay $0x1  }
0x163: {  	v22 =	vmul.f32 s20, v22;
	_ =	sdelay $0x1  }
0x164: {  	[tilespmem:v24+s16+$0x0] =	vst.idx.msk $0xffff, v22  }
0x165: {  	v22 =	vld [tilespmem:$0x2130]  }
0x166: {  	v23 =	vld [tilespmem:$0x21B0]  }
0x167: {  	v24 =	vld [tilespmem:$0x2230]  }
0x168: {  	v25 =	vld [tilespmem:$0x22B0]  }
0x169: {  	v26 =	vld [tilespmem:$0x2330]  }
0x16a: {  	v11 =	vmul.f32 v22, v11;
	v22 =	vld [tilespmem:$0x23B0]  }
0x16b: {  	v27 =	vld [tilespmem:$0x2430]  }
0x16c: {  	v6 =	vmul.f32 v23, v6;
	v11 =	vadd.f32 $0.0e+00, v11;
	v23 =	vld [tilespmem:$0x24B0]  }
0x16d: {  	v28 =	vld [tilespmem:$0x2530]  }
0x16e: {  	v7 =	vmul.f32 v24, v7;
	v6 =	vadd.f32 v6, v11;
	v11 =	vld [tilespmem:$0x25B0]  }
0x16f: {  	v24 =	vld [tilespmem:$0x2630]  }
0x170: {  	v6 =	vadd.f32 v7, v6;
	v7 =	vmul.f32 v25, v8;
	v8 =	vld [tilespmem:$0x26B0]  }
0x171: {  	v25 =	vld [tilespmem:$0x2730]  }
0x172: {  	v6 =	vadd.f32 v7, v6;
	v7 =	vmul.f32 v26, v9;
	v9 =	vld [tilespmem:$0x27B0]  }
0x173: {  	v26 =	vld [tilespmem:$0x2830]  }
0x174: {  	v6 =	vadd.f32 v7, v6;
	v7 =	vmul.f32 v22, v10;
	v10 =	vld [tilespmem:$0x28B0];
	_ =	sdelay $0x1  }
0x175: {  	v6 =	vadd.f32 v7, v6;
	v7 =	vmul.f32 v27, v12;
	_ =	sdelay $0x1  }
0x176: {  	v6 =	vadd.f32 v7, v6;
	v7 =	vmul.f32 v23, v13;
	_ =	sdelay $0x1  }
0x177: {  	v6 =	vadd.f32 v7, v6;
	v7 =	vmul.f32 v28, v14;
	_ =	sdelay $0x1  }
0x178: {  	v6 =	vadd.f32 v7, v6;
	v7 =	vmul.f32 v11, v15;
	_ =	sdelay $0x1  }
0x179: {  	v6 =	vadd.f32 v7, v6;
	v7 =	vmul.f32 v24, v16;
	_ =	sdelay $0x1  }
0x17a: {  	v6 =	vadd.f32 v7, v6;
	v7 =	vmul.f32 v8, v17;
	_ =	sdelay $0x1  }
0x17b: {  	v6 =	vadd.f32 v7, v6;
	v7 =	vmul.f32 v25, v18;
	_ =	sdelay $0x1  }
0x17c: {  	v6 =	vadd.f32 v7, v6;
	v7 =	vmul.f32 v9, v19;
	_ =	sdelay $0x1  }
0x17d: {  	v6 =	vadd.f32 v7, v6;
	v7 =	vmul.f32 v26, v20;
	_ =	sdelay $0x1  }
.Ltmp0:
0x17e: {  	v9 =	vmul.f32 v10, v21;
	v6 =	vadd.f32 v7, v6;
	(pc) =	sbr.rel @p0 .LBB2_2-.Ltmp0, $4  }
0x17f: {  	v8 =	vor.u32 v4, v5  }
0x180: {  	v7 =	vmov s19;
	v9 =	vadd.f32 v9, v6  }
0x181: {  	v5 =	vshll.u32 v7, $0x7;
	v6 =	vshll.u32 v7, $0x8  }
0x182: {  	v9 =	vmul.f32 s20, v9  }
0x183: {  	_ =	sdelay $0x3  }
0x184: {  	[tilespmem:v8+s16+$0x0] =	vst.idx.msk $0xffff, v9  }
0x185: {  	v7 =	vld.idx.msk [tilespmem:v7+s10+$0x0], $0xffff;
	_ =	sdelay $0x4  }
0x186: {  	v7 =	vxor.u32 $0x80000000, v7  }
0x187: {  	(xrf0) =	vmax.scan.msk.u32 $0xffff, v7;
	_ =	sdelay $0x5  }
0x188: {  	v7, _, _ =	vpop (xrf0)  }
0x189: {  	(v2sf) =	vpush v7, $0xF;
	_ =	sdelay $0xe  }
0x18a: {  	s18 =	spop (v2sf)  }
0x18b: {  	s20 =	sadd.s32 $0x7FFFFFF6, s18  }
0x18c: {  	p0 =	sgt.s32 s20, $0x0  }
0x18d: {  	s18 =	sxor.u32 $0x80000000, s18;
	s20 =	simm.s32 @!p0 $0x0  }
0x18e: {  	s19 =	ssub.s32 s18, s20;
	v7 =	vadd.s32 s20, v0  }
0x18f: {  	vm3 =	vlt.s32 v7, $0xC7;
	v35 =	vmov s19  }
0x190: {  	v6 =	vand.u32 $0x1800, v6;
	v7 =	vnsel vm3, $0xC7, v7;
	vm3 =	vgt.s32 v35, v0  }
0x191: {  	v11 =	vand.u32 $0x380, v5;
	v8 =	vsel vm3, $0x3F800000, v1;
	v36 =	vshll.u32 v7, $0x3  }
0x192: {  	vm3 =	vcmask $0x308;
	v9 =	vand.u32 $0xFFFFFC00, v36;
	v10 =	vnsel vm1, $0x0, v8  }
0x193: {  	v12 =	vsel vm3, $0x0, v8;
	vm3 =	vcmask $0x70C;
	v6 =	vadd.s32 v6, v9;
	(xrf0) =	vmax.scan.msk.f32 $0xffff, v10  }
0x194: {  	v7 =	vand.u32 $0x7F, v7;
	v37 =	vsel vm3, $0x0, v8;
	v6 =	vor.u32 v11, v6;
	(xrf0) =	vmax.scan.msk.f32 $0xffff, v12  }
0x195: {  	v38 =	vsel vm4, $0x0, v8;
	v6 =	vor.u32 v7, v6;
	(xrf0) =	vmax.scan.msk.f32 $0xffff, v37  }
0x196: {  	v7 =	vsel vm5, $0x0, v8;
	(xrf0) =	vmax.scan.msk.f32 $0xffff, v38  }
0x197: {  	v39 =	vsel vm6, $0x0, v8;
	(xrf0) =	vmax.scan.msk.f32 $0xffff, v7  }
0x198: {  	v7 =	vsel vm7, $0x0, v8;
	(xrf0) =	vmax.scan.msk.f32 $0xffff, v39  }
0x199: {  	v40 =	vsel vm8, $0x0, v8;
	(xrf0) =	vmax.scan.msk.f32 $0xffff, v7  }
0x19a: {  	v7 =	vsel vm9, $0x0, v8;
	v41, _, _ =	vpop (xrf0);
	v6 =	vld.idx.msk [tilespmem:v6+s3+$0x0], $0xffff;
	(xrf0) =	vmax.scan.msk.f32 $0xffff, v40  }
0x19b: {  	v42 =	vsel vm10, $0x0, v8;
	v43, _, _ =	vpop (xrf0);
	(xrf0) =	vmax.scan.msk.f32 $0xffff, v7  }
0x19c: {  	v7 =	vsel vm11, $0x0, v8;
	v44, _, _ =	vpop (xrf0);
	(xrf0) =	vmax.scan.msk.f32 $0xffff, v42  }
0x19d: {  	v45 =	vsel vm12, $0x0, v8;
	v13, _, _ =	vpop (xrf0);
	(xrf0) =	vmax.scan.msk.f32 $0xffff, v7  }
0x19e: {  	v7 =	vsel vm13, $0x0, v8;
	v14, _, _ =	vpop (xrf0);
	(xrf0) =	vmax.scan.msk.f32 $0xffff, v45  }
0x19f: {  	v46 =	vsel vm14, $0x0, v8;
	v15, _, _ =	vpop (xrf0);
	(xrf0) =	vmax.scan.msk.f32 $0xffff, v7  }
0x1a0: {  	v7 =	vsel vm15, $0x0, v8;
	v16, _, _ =	vpop (xrf0);
	(xrf0) =	vmax.scan.msk.f32 $0xffff, v46  }
0x1a1: {  	v17, _, _ =	vpop (xrf0);
	(xrf0) =	vmax.scan.msk.f32 $0xffff, v7  }
0x1a2: {  	v18, _, _ =	vpop (xrf0);
	v7 =	vsel vm2, $0x0, v8;
	[tilespmem:s11], [sflag:$0x1] =	stream.indirect_vreg.gather [hbm4b:s2+s3], $0x1, v6, vm0, $0xb8;
	[tilespmem:$0x3900] =	vst v63  }
0x1a3: {  	v19, _, _ =	vpop (xrf0);
	(xrf0) =	vmax.scan.msk.f32 $0xffff, v7  }
0x1a4: {  	_ =	swait.ge [sflag:s12], $0x10  }
0x1a5: {  	v20, _, _ =	vpop (xrf0)  }
0x1a6: {  	[sflag:s12] =	ssyncset.done $0x0;
	v21, _, _ =	vpop (xrf0)  }
0x1a7: {  	[sflag:s12] =	ssyncadd.s32 $0xFFFFFFF0;
	v22, _, _ =	vpop (xrf0)  }
0x1a8: {  	[tilespmem:s14], [sflag:$0x2] =	stream.indirect.gather [hbm4b:s4+s13], $0x80, s11, s13, $0xb8;
	v23, _, _ =	vpop (xrf0);
	[tilespmem:$0x3900] =	vst v63  }
0x1a9: {  	_ =	swait.ge [sflag:s15], $0x800  }
0x1aa: {  	[sflag:s15] =	ssyncset.done $0x0  }
0x1ab: {  	[sflag:s15] =	ssyncadd.s32 $0xFFFFF800  }
0x1ac: {  	v7 =	vld [tilespmem:$0x2100];
	_ =	sdelay $0x1  }
0x1ad: {  	v47 =	vld [tilespmem:$0x2180]  }
0x1ae: {  	v6 =	vbroadcast v41, $0xF  }
0x1af: {  	v48 =	vld [tilespmem:$0x2200]  }
0x1b0: {  	v10 =	vmul.f32 v6, v7;
	v7 =	vbroadcast v43, $0xF  }
0x1b1: {  	v49 =	vld [tilespmem:$0x2280]  }
0x1b2: {  	v8 =	vbroadcast v44, $0xF;
	v10 =	vadd.f32 $0.0e+00, v10;
	v24 =	vmul.f32 v7, v47  }
0x1b3: {  	v50 =	vld [tilespmem:$0x2300]  }
0x1b4: {  	v9 =	vbroadcast v13, $0xF;
	v51 =	vmul.f32 v8, v48;
	v10 =	vadd.f32 v10, v24  }
0x1b5: {  	v52 =	vld [tilespmem:$0x2380]  }
0x1b6: {  	v11 =	vmul.f32 v9, v49;
	v24 =	vadd.f32 v10, v51;
	v10 =	vbroadcast v14, $0xF  }
0x1b7: {  	v53 =	vld [tilespmem:$0x2400]  }
0x1b8: {  	v24 =	vadd.f32 v24, v11;
	v12 =	vmul.f32 v10, v50;
	v11 =	vbroadcast v15, $0xF  }
0x1b9: {  	v54 =	vld [tilespmem:$0x2480]  }
0x1ba: {  	v24 =	vadd.f32 v24, v12;
	v13 =	vmul.f32 v11, v52;
	v12 =	vbroadcast v16, $0xF  }
0x1bb: {  	v55 =	vld [tilespmem:$0x2500]  }
0x1bc: {  	v24 =	vadd.f32 v24, v13;
	v14 =	vmul.f32 v53, v12;
	v13 =	vbroadcast v17, $0xF  }
0x1bd: {  	v56 =	vld [tilespmem:$0x2580]  }
0x1be: {  	v24 =	vadd.f32 v24, v14;
	v15 =	vmul.f32 v54, v13;
	v14 =	vbroadcast v18, $0xF  }
0x1bf: {  	v57 =	vld [tilespmem:$0x2600]  }
0x1c0: {  	v24 =	vadd.f32 v24, v15;
	v16 =	vmul.f32 v55, v14;
	v15 =	vbroadcast v19, $0xF  }
0x1c1: {  	v58 =	vld [tilespmem:$0x2680]  }
0x1c2: {  	v24 =	vadd.f32 v24, v16;
	v17 =	vmul.f32 v56, v15;
	v16 =	vbroadcast v20, $0xF  }
0x1c3: {  	v59 =	vld [tilespmem:$0x2700]  }
0x1c4: {  	v24 =	vadd.f32 v24, v17;
	v18 =	vmul.f32 v57, v16;
	v17 =	vbroadcast v21, $0xF  }
0x1c5: {  	v60 =	vld [tilespmem:$0x2780]  }
0x1c6: {  	v24 =	vadd.f32 v24, v18;
	v19 =	vmul.f32 v58, v17;
	v18 =	vbroadcast v22, $0xF  }
0x1c7: {  	v61 =	vld [tilespmem:$0x2800]  }
0x1c8: {  	s18 =	simm.f32 $5.000000000e-01;
	p0 =	seq.s32 s19, $0x2;
	v24 =	vadd.f32 v24, v19;
	v20 =	vmul.f32 v59, v18;
	v19 =	vbroadcast v23, $0xF  }
0x1c9: {  	s18 =	simm.s32 @!p0 $0x3F800000;
	p0 =	seq.s32 s19, $0x3;
	v62, _, _ =	vpop (xrf0);
	v25 =	vld [tilespmem:$0x2880]  }
0x1ca: {  	s18 =	simm.s32 @p0 $0x3EAAAAAB;
	p0 =	seq.s32 s19, $0x4;
	v24 =	vadd.f32 v24, v20;
	v21 =	vmul.f32 v60, v19;
	v20 =	vbroadcast v62, $0xF  }
0x1cb: {  	s18 =	simm.s32 @p0 $0x3E800000;
	p0 =	seq.s32 s19, $0x5;
	v63, _, _ =	vpop (xrf0)  }
0x1cc: {  	s18 =	simm.s32 @p0 $0x3E4CCCCD;
	p0 =	seq.s32 s19, $0x6;
	v24 =	vadd.f32 v24, v21;
	v22 =	vmul.f32 v61, v20;
	v21 =	vbroadcast v63, $0xF  }
0x1cd: {  	s18 =	simm.s32 @p0 $0x3E2AAAAB;
	p0 =	seq.s32 s19, $0x7  }
0x1ce: {  	s18 =	simm.s32 @p0 $0x3E124925;
	p0 =	seq.s32 s19, $0x8;
	v22 =	vadd.f32 v24, v22;
	v23 =	vmul.f32 v25, v21  }
0x1cf: {  	v28 =	vor.u32 v0, v5;
	s18 =	simm.s32 @p0 $0x3E000000;
	p0 =	seq.s32 s19, $0x9  }
0x1d0: {  	s18 =	simm.s32 @p0 $0x3DE38E39;
	p0 =	seq.s32 s19, $0xA;
	v22 =	vadd.f32 v22, v23  }
0x1d1: {  	s18 =	simm.s32 @p0 $0x3DCCCCCD  }
0x1d2: {  	v22 =	vmul.f32 s18, v22;
	_ =	sdelay $0x1  }
0x1d3: {  	[tilespmem:v28+s16+$0x0] =	vst.idx.msk $0xffff, v22  }
0x1d4: {  	v22 =	vld [tilespmem:$0x2110];
	_ =	sdelay $0x1  }
0x1d5: {  	v29 =	vld [tilespmem:$0x2190];
	_ =	sdelay $0x1  }
0x1d6: {  	v24 =	vld [tilespmem:$0x2210]  }
0x1d7: {  	v22 =	vmul.f32 v22, v6  }
0x1d8: {  	v30 =	vld [tilespmem:$0x2290]  }
0x1d9: {  	v23 =	vmul.f32 v29, v7;
	v22 =	vadd.f32 $0.0e+00, v22  }
0x1da: {  	v26 =	vld [tilespmem:$0x2310]  }
0x1db: {  	v31 =	vmul.f32 v24, v8;
	v22 =	vadd.f32 v23, v22  }
0x1dc: {  	v32 =	vld [tilespmem:$0x2390]  }
0x1dd: {  	v33 =	vmul.f32 v30, v9;
	v22 =	vadd.f32 v31, v22  }
0x1de: {  	v34 =	vld [tilespmem:$0x2410]  }
0x1df: {  	v35 =	vmul.f32 v26, v10;
	v22 =	vadd.f32 v33, v22  }
0x1e0: {  	v36 =	vld [tilespmem:$0x2490]  }
0x1e1: {  	v37 =	vmul.f32 v32, v11;
	v22 =	vadd.f32 v35, v22  }
0x1e2: {  	v38 =	vld [tilespmem:$0x2510]  }
0x1e3: {  	v39 =	vmul.f32 v34, v12;
	v22 =	vadd.f32 v37, v22  }
0x1e4: {  	v40 =	vld [tilespmem:$0x2590]  }
0x1e5: {  	v41 =	vmul.f32 v36, v13;
	v22 =	vadd.f32 v39, v22  }
0x1e6: {  	v42 =	vld [tilespmem:$0x2610]  }
0x1e7: {  	v43 =	vmul.f32 v38, v14;
	v22 =	vadd.f32 v41, v22  }
0x1e8: {  	v44 =	vld [tilespmem:$0x2690]  }
0x1e9: {  	v45 =	vmul.f32 v40, v15;
	v22 =	vadd.f32 v43, v22  }
0x1ea: {  	v46 =	vld [tilespmem:$0x2710]  }
0x1eb: {  	v47 =	vmul.f32 v42, v16;
	v22 =	vadd.f32 v45, v22  }
0x1ec: {  	v48 =	vld [tilespmem:$0x2790]  }
0x1ed: {  	v49 =	vmul.f32 v44, v17;
	v22 =	vadd.f32 v47, v22  }
0x1ee: {  	v50 =	vld [tilespmem:$0x2810]  }
0x1ef: {  	v51 =	vmul.f32 v46, v18;
	v22 =	vadd.f32 v49, v22  }
0x1f0: {  	v52 =	vld [tilespmem:$0x2890]  }
0x1f1: {  	v53 =	vmul.f32 v48, v19;
	v22 =	vadd.f32 v51, v22;
	_ =	sdelay $0x1  }
0x1f2: {  	v54 =	vmul.f32 v50, v20;
	v22 =	vadd.f32 v53, v22;
	_ =	sdelay $0x1  }
0x1f3: {  	v55 =	vmul.f32 v52, v21;
	v22 =	vadd.f32 v54, v22  }
0x1f4: {  	v56 =	vor.u32 v2, v5  }
0x1f5: {  	v22 =	vadd.f32 v55, v22;
	_ =	sdelay $0x1  }
0x1f6: {  	v22 =	vmul.f32 s18, v22;
	_ =	sdelay $0x1  }
0x1f7: {  	[tilespmem:v56+s16+$0x0] =	vst.idx.msk $0xffff, v22  }
0x1f8: {  	v22 =	vld [tilespmem:$0x2120];
	_ =	sdelay $0x1  }
0x1f9: {  	v57 =	vld [tilespmem:$0x21A0];
	_ =	sdelay $0x1  }
0x1fa: {  	v24 =	vld [tilespmem:$0x2220]  }
0x1fb: {  	v22 =	vmul.f32 v22, v6  }
0x1fc: {  	v58 =	vld [tilespmem:$0x22A0]  }
0x1fd: {  	v23 =	vmul.f32 v57, v7;
	v22 =	vadd.f32 $0.0e+00, v22  }
0x1fe: {  	v59 =	vld [tilespmem:$0x2320]  }
0x1ff: {  	v60 =	vmul.f32 v24, v8;
	v22 =	vadd.f32 v23, v22  }
0x200: {  	v61 =	vld [tilespmem:$0x23A0]  }
0x201: {  	v62 =	vmul.f32 v58, v9;
	v22 =	vadd.f32 v60, v22  }
0x202: {  	v63 =	vld [tilespmem:$0x2420]  }
0x203: {  	v28 =	vmul.f32 v59, v10;
	v22 =	vadd.f32 v62, v22  }
0x204: {  	v29 =	vld [tilespmem:$0x24A0]  }
0x205: {  	v30 =	vmul.f32 v61, v11;
	v22 =	vadd.f32 v28, v22  }
0x206: {  	v31 =	vld [tilespmem:$0x2520]  }
0x207: {  	v32 =	vmul.f32 v63, v12;
	v22 =	vadd.f32 v30, v22  }
0x208: {  	v33 =	vld [tilespmem:$0x25A0]  }
0x209: {  	v34 =	vmul.f32 v29, v13;
	v22 =	vadd.f32 v32, v22  }
0x20a: {  	v35 =	vld [tilespmem:$0x2620]  }
0x20b: {  	v36 =	vmul.f32 v31, v14;
	v22 =	vadd.f32 v34, v22  }
0x20c: {  	v37 =	vld [tilespmem:$0x26A0]  }
0x20d: {  	v38 =	vmul.f32 v33, v15;
	v22 =	vadd.f32 v36, v22  }
0x20e: {  	v39 =	vld [tilespmem:$0x2720]  }
0x20f: {  	v40 =	vmul.f32 v35, v16;
	v22 =	vadd.f32 v38, v22  }
0x210: {  	v41 =	vld [tilespmem:$0x27A0]  }
0x211: {  	v42 =	vmul.f32 v37, v17;
	v22 =	vadd.f32 v40, v22  }
0x212: {  	v43 =	vld [tilespmem:$0x2820]  }
0x213: {  	v44 =	vmul.f32 v39, v18;
	v22 =	vadd.f32 v42, v22  }
0x214: {  	v45 =	vld [tilespmem:$0x28A0]  }
0x215: {  	v46 =	vmul.f32 v41, v19;
	v22 =	vadd.f32 v44, v22;
	_ =	sdelay $0x1  }
0x216: {  	v47 =	vmul.f32 v43, v20;
	v22 =	vadd.f32 v46, v22;
	_ =	sdelay $0x1  }
0x217: {  	v48 =	vmul.f32 v45, v21;
	v22 =	vadd.f32 v47, v22  }
0x218: {  	v49 =	vor.u32 v3, v5  }
0x219: {  	v22 =	vadd.f32 v48, v22;
	_ =	sdelay $0x1  }
0x21a: {  	v22 =	vmul.f32 s18, v22;
	_ =	sdelay $0x1  }
0x21b: {  	[tilespmem:v49+s16+$0x0] =	vst.idx.msk $0xffff, v22  }
0x21c: {  	v22 =	vld [tilespmem:$0x2130];
	_ =	sdelay $0x1  }
0x21d: {  	v50 =	vld [tilespmem:$0x21B0];
	_ =	sdelay $0x1  }
0x21e: {  	v24 =	vld [tilespmem:$0x2230]  }
0x21f: {  	v6 =	vmul.f32 v22, v6  }
0x220: {  	v51 =	vld [tilespmem:$0x22B0]  }
0x221: {  	v7 =	vmul.f32 v50, v7;
	v6 =	vadd.f32 $0.0e+00, v6  }
0x222: {  	v52 =	vld [tilespmem:$0x2330]  }
0x223: {  	v6 =	vadd.f32 v7, v6;
	v7 =	vmul.f32 v24, v8  }
0x224: {  	v53 =	vld [tilespmem:$0x23B0]  }
0x225: {  	v6 =	vadd.f32 v7, v6;
	v7 =	vmul.f32 v51, v9  }
0x226: {  	v54 =	vld [tilespmem:$0x2430]  }
0x227: {  	v6 =	vadd.f32 v7, v6;
	v7 =	vmul.f32 v52, v10  }
0x228: {  	v55 =	vld [tilespmem:$0x24B0]  }
0x229: {  	v6 =	vadd.f32 v7, v6;
	v7 =	vmul.f32 v53, v11  }
0x22a: {  	v56 =	vld [tilespmem:$0x2530]  }
0x22b: {  	v6 =	vadd.f32 v7, v6;
	v7 =	vmul.f32 v54, v12  }
0x22c: {  	v57 =	vld [tilespmem:$0x25B0]  }
0x22d: {  	v6 =	vadd.f32 v7, v6;
	v7 =	vmul.f32 v55, v13  }
0x22e: {  	v58 =	vld [tilespmem:$0x2630]  }
0x22f: {  	v6 =	vadd.f32 v7, v6;
	v7 =	vmul.f32 v56, v14  }
0x230: {  	v59 =	vld [tilespmem:$0x26B0]  }
0x231: {  	v6 =	vadd.f32 v7, v6;
	v7 =	vmul.f32 v57, v15  }
0x232: {  	v60 =	vld [tilespmem:$0x2730]  }
0x233: {  	v6 =	vadd.f32 v7, v6;
	v7 =	vmul.f32 v58, v16  }
0x234: {  	v61 =	vld [tilespmem:$0x27B0]  }
0x235: {  	v6 =	vadd.f32 v7, v6;
	v7 =	vmul.f32 v59, v17  }
0x236: {  	v62 =	vld [tilespmem:$0x2830]  }
0x237: {  	v6 =	vadd.f32 v7, v6;
	v7 =	vmul.f32 v60, v18  }
0x238: {  	v63 =	vld [tilespmem:$0x28B0]  }
0x239: {  	v6 =	vadd.f32 v7, v6;
	v7 =	vmul.f32 v61, v19;
	_ =	sdelay $0x1  }
0x23a: {  	v6 =	vadd.f32 v7, v6;
	v7 =	vmul.f32 v62, v20;
	_ =	sdelay $0x1  }
0x23b: {  	v6 =	vadd.f32 v7, v6;
	v7 =	vmul.f32 v63, v21  }
0x23c: {  	v5 =	vor.u32 v4, v5  }
0x23d: {  	v6 =	vadd.f32 v7, v6;
	_ =	sdelay $0x1  }
0x23e: {  	s17 =	sadd.s32 $0x1, s17;
	v6 =	vmul.f32 s18, v6  }
0x23f: {  	p0 =	sne.s32 s17, s8  }
.Ltmp1:
0x240: {  	[tilespmem:v5+s16+$0x0] =	vst.idx.msk $0xffff, v6;
	(pc) =	sbr.rel @p0 .LBB2_1-.Ltmp1, $4  }
0x241: {  	[hbm4b:s7+s3] =	stream.linear.scatter [tilespmem:s16], [sflag:$0x3], $0x1000, $0x38;
	[tilespmem:$0x3900] =	vst v63  }
0x242: {  	_ =	swait.ge [sflag:s9], $0x1000  }
0x243: {  	[sflag:s9] =	ssyncset.done $0x0  }
0x244: {  	[sflag:s9] =	ssyncadd.s32 $0xFFFFF000  }
0x245: {  	_ =	sfence.sel $0x180000  }
0x246: {  	[bflag:$0x0] =	sbarrier.arrive $0xFFFF  }
0x247: {  	p0 =	sne.s32 s1, $0x0;
	_ =	strace $0x90000047  }
0x248: {  	s0 =	sadd.s32 @!p0 $0x100000, s0;
	[bflag:$0x2] =	sbarrier.arrive $0xFFFF  }
0x249: {  	[sflag:s0] =	ssyncadd.tile.s32 @!p0 $0x1;
	_ =	shalt  }
.Lfunc_end2:
_tile_overlayer_lowered:
.L_overlay_start_2:
0x24a: {  	(tag) =	ssettag $0x2  }
0x24b: {  	s0 =	rddreg [dreg:$0x0];
	s2 =	stileid.u32  }
0x24c: {  	s1 =	rddreg [dreg:$0x1];
	p0 =	sne.s32 s2, $0x0  }
0x24d: {  	s3 =	rddreg [dreg:$0x2];
	[bflag:$0x3] =	sbarrier.arrive $0xFFFF;
	s2 =	simm.s32 @!p0 $0x1C03  }
0x24e: {  	[timem:s3], [sflag:s2] =	dma.local @!p0 [hbm:s0], s1  }
0x24f: {  	s0 =	simm.s32 @!p0 $0x3  }
0x250: {  	_ =	swait.ge @!p0 [sflag:s0], s1  }
0x251: {  	s1 =	ssub.s32 @!p0 $0x0, s1;
	[sflag:s0] =	ssyncset.done @!p0 $0x0  }
0x252: {  	[sflag:s0] =	ssyncadd.s32 @!p0 s1  }
0x253: {  	[bflag:$0x3] =	sbarrier.arrive $0xFFFF  }
0x254: {  	_ =	shalt  }

</sc_bundles>
